<compile_context>
chip_gen: v7x
topology: tpu7x:2x2x1
jax: 0.10.2.dev20260603
libtpu: 0.0.44.dev20260713+nightly
codegen_flags: <defaults>
</compile_context>

<pallas_src>
import functools

import jax
import jax.numpy as jnp
from jax import lax
from jax.experimental import pallas as pl
from jax.experimental.pallas import tpu as pltpu
from jax.experimental.pallas import tpu_sc as plsc

D = 1024
NUM_ROWS = 100000

NC, NS, L = 2, 16, 16
NW = NC * NS
SC_ROWS = 40960
RPW = SC_ROWS // NW
SC_CHUNK = 40
SC_NCHUNKS = RPW // SC_CHUNK
SC_GROUP = 4

TC_BLOCK = 2000
TC_START = 40000
TC_ROWS = NUM_ROWS - TC_START
TC_FIRST_BLOCK = TC_START // TC_BLOCK



def _sc_compute_chunk(chunk_ref, q_v, ci, carry):

    def group_body(g4, carry2):
        bd, bs, bci, bri = carry2
        r = g4 * SC_GROUP
        zero = jnp.zeros((L,), jnp.float32)
        accs_init = tuple([zero] * (2 * SC_GROUP))

        def jblock(jo, accs):
            accs = list(accs)
            for jj in range(8):
                j = jo * 8 + jj
                qv = q_v[pl.ds(j * L, L)]
                for k in range(SC_GROUP):
                    v = chunk_ref[r + k, pl.ds(j * L, L)]
                    accs[2 * k] = accs[2 * k] + v * qv
                    accs[2 * k + 1] = accs[2 * k + 1] + v * v
            return tuple(accs)

        accs = lax.fori_loop(0, (D // L) // 8, jblock, accs_init)
        for k in range(SC_GROUP):
            d = jnp.sum(accs[2 * k])
            sq = jnp.sum(accs[2 * k + 1])
            cge = d >= 0.0
            bge = bd >= 0.0
            ck = d * d * bs
            bk = bd * bd * sq
            better = lax.select(cge != bge, cge,
                                lax.select(cge, ck > bk, ck < bk))
            bd = lax.select(better, d, bd)
            bs = lax.select(better, sq, bs)
            bci = lax.select(better, ci, bci)
            bri = lax.select(better, r + k, bri)
        return bd, bs, bci, bri

    return lax.fori_loop(0, SC_CHUNK // SC_GROUP, group_body, carry)


def _sc_body(mem_hbm, q_hbm, sc_out, q_v, chunk0_v, chunk1_v,
             cand_v, sem0, sem1):
    c = lax.axis_index("c")
    s = lax.axis_index("s")
    wid = c * NS + s
    base = wid * RPW
    pltpu.sync_copy(q_hbm, q_v)

    def chunk_src(ci):
        return mem_hbm.at[pl.ds(base + ci * SC_CHUNK, SC_CHUNK)]

    def wait(buf, sem):
        pltpu.make_async_copy(chunk_src(0), buf, sem).wait()

    pltpu.async_copy(chunk_src(0), chunk0_v, sem0)

    def pair_body(g, carry):
        ci = g * 2
        pltpu.async_copy(chunk_src(ci + 1), chunk1_v, sem1)
        wait(chunk0_v, sem0)
        carry = _sc_compute_chunk(chunk0_v, q_v, ci, carry)

        @pl.when(ci + 2 < SC_NCHUNKS)
        def _():
            pltpu.async_copy(chunk_src(ci + 2), chunk0_v, sem0)

        wait(chunk1_v, sem1)
        return _sc_compute_chunk(chunk1_v, q_v, ci + 1, carry)

    init = (-jnp.inf, jnp.float32(1.0), jnp.int32(0), jnp.int32(0))
    bd, bs, bci, bri = lax.fori_loop(0, SC_NCHUNKS // 2, pair_body, init)

    lanes = lax.iota(jnp.int32, L)
    cvec = jnp.where(lanes == 0, bd,
                     jnp.where(lanes == 1, bs, 0.0))
    cand_v[...] = cvec
    pltpu.sync_copy(cand_v, sc_out.at[wid, pl.ds(D, L)])
    pltpu.sync_copy(chunk_src(bci), chunk1_v)
    pltpu.sync_copy(chunk1_v.at[bri], sc_out.at[wid, pl.ds(0, D)])


def _sc_scan(query, memory):
    mesh = plsc.VectorSubcoreMesh(core_axis_name="c", subcore_axis_name="s",
                                  num_cores=NC, num_subcores=NS)
    f = pl.kernel(
        _sc_body,
        out_type=jax.ShapeDtypeStruct((NW, D + L), jnp.float32),
        mesh=mesh,
        scratch_types=[
            pltpu.VMEM((D,), jnp.float32),
            pltpu.VMEM((SC_CHUNK, D), jnp.float32),
            pltpu.VMEM((SC_CHUNK, D), jnp.float32),
            pltpu.VMEM((L,), jnp.float32),
            pltpu.SemaphoreType.DMA,
            pltpu.SemaphoreType.DMA,
        ],
        compiler_params=pltpu.CompilerParams(needs_layout_passes=False),
    )
    return f(memory, query)



def _tc_body(q_ref, mem_ref, out_ref, sim_ref, best_ref):
    i = pl.program_id(0)

    @pl.when(i == 0)
    def _():
        best_ref[0] = -jnp.inf

    q = q_ref[...]
    block = mem_ref[...]
    dn = (((1,), (1,)), ((), ()))
    dots = lax.dot_general(block, q, dn,
                           preferred_element_type=jnp.float32)
    ones = jnp.ones(q.shape, jnp.float32)
    sumsq = lax.dot_general(block * block, ones, dn,
                            preferred_element_type=jnp.float32)
    q_norm = jnp.sqrt(jnp.sum(q * q))
    denom = jnp.maximum(q_norm * jnp.sqrt(sumsq), 1e-8)
    sims = dots / denom
    local_max = jnp.max(sims)

    @pl.when(local_max > best_ref[0])
    def _():
        best_ref[0] = local_max
        r = sims.shape[0]
        iota = lax.broadcasted_iota(jnp.int32, (r, 1), 0)
        idx = jnp.min(jnp.where(sims == local_max, iota, r))
        out_ref[...] = mem_ref[pl.ds(idx, 1), :]

    @pl.when(i == (TC_ROWS // TC_BLOCK) - 1)
    def _():
        sim_ref[...] = jnp.full((1, 1), best_ref[0], jnp.float32)


def _tc_scan(q2, memory):
    grid = TC_ROWS // TC_BLOCK
    return pl.pallas_call(
        _tc_body,
        grid=(grid,),
        in_specs=[
            pl.BlockSpec((1, D), lambda i: (0, 0)),
            pl.BlockSpec((TC_BLOCK, D), lambda i: (TC_FIRST_BLOCK + i, 0)),
        ],
        out_specs=[
            pl.BlockSpec((1, D), lambda i: (0, 0)),
            pl.BlockSpec((1, 1), lambda i: (0, 0)),
        ],
        out_shape=[
            jax.ShapeDtypeStruct((1, D), jnp.float32),
            jax.ShapeDtypeStruct((1, 1), jnp.float32),
        ],
        scratch_shapes=[pltpu.SMEM((1,), jnp.float32)],
    )(q2, memory)



def _merge_body(q_ref, sc_ref, tcsim_ref, tcrow_ref, out_ref):
    q = q_ref[...]
    q_norm = jnp.sqrt(jnp.sum(q * q))
    d = sc_ref[:, D:D + 1]
    sq = sc_ref[:, D + 1:D + 2]
    sims = d / jnp.maximum(q_norm * jnp.sqrt(sq), 1e-8)
    best_sc = jnp.max(sims)
    iota = lax.broadcasted_iota(jnp.int32, (NW, 1), 0)
    w = jnp.min(jnp.where(sims == best_sc, iota, NW))
    sc_row = sc_ref[pl.ds(w, 1), 0:D]
    tc_better = tcsim_ref[0, 0] > best_sc
    out_ref[...] = jnp.where(tc_better, tcrow_ref[...], sc_row)


def _merge(q2, sc_out, tc_sim, tc_row):
    return pl.pallas_call(
        _merge_body,
        out_shape=jax.ShapeDtypeStruct((1, D), jnp.float32),
    )(q2, sc_out, tc_sim, tc_row)


def kernel(query, memory):
    q2 = query.reshape(1, D)
    sc_out = _sc_scan(query, memory)
    tc_row, tc_sim = _tc_scan(q2, memory)
    out = _merge(q2, sc_out, tc_sim, tc_row)
    return out.reshape(D)

# --- scband reference (transcript-rebuilt; emitter-appended) ---
"""Pipeline reference for scband-neural-mem2-16106127360473 (READ-ONLY COPY).

The authoritative reference and input builder live on the scoring server;
editing this copy changes nothing except your own understanding.
"""

import jax, jax.numpy as jnp
import numpy as np

IN_FEATURES = 1024
NUM_PATTERNS = 100000


def setup_inputs(seed: int = 0) -> dict:
    key = jax.random.key(seed)
    k_q, k_m = jax.random.split(key)
    query = jax.random.normal(k_q, (IN_FEATURES,), dtype=jnp.float32)
    # nn.Parameter(torch.rand(num_patterns, in_features)) -> uniform [0,1)
    memory = jax.random.uniform(k_m, (NUM_PATTERNS, IN_FEATURES), dtype=jnp.float32)
    return {"query": query, "memory": memory}


def reference(query, memory):
    # query.unsqueeze(0) -> [1, d]; cosine_similarity(q, memory, dim=1) -> [K]
    q = query[None, :]
    dots = jnp.sum(q * memory, axis=1)  # [K]
    q_norm = jnp.linalg.norm(q, axis=1)  # [1] broadcasts
    m_norm = jnp.linalg.norm(memory, axis=1)  # [K]
    eps = 1e-8
    sims = dots / jnp.maximum(q_norm * m_norm, eps)
    amax = jnp.argmax(sims)
    out = memory[amax]
    return out

if __name__ == "__main__":
    import jax
    _d = setup_inputs()
    print(jax.jit(kernel)(*tuple(_d.values())))

</pallas_src>

<mosaic_0001>
#map = affine_map<(d0, d1) -> (0, 0)>
#map1 = affine_map<(d0, d1) -> (0)>
module attributes {stable_mosaic.version = 14 : i64} {
  func.func @_sc_body(%arg0: i32, %arg1: i32, %arg2: memref<100000x1024xf32, #tpu.memory_space<hbm>>, %arg3: memref<1024xf32, #tpu.memory_space<hbm>>, %arg4: memref<32x1040xf32, #tpu.memory_space<hbm>>, %arg5: memref<1024xf32, #tpu.memory_space<vmem>>, %arg6: memref<40x1024xf32, #tpu.memory_space<vmem>>, %arg7: memref<40x1024xf32, #tpu.memory_space<vmem>>, %arg8: memref<16xf32, #tpu.memory_space<vmem>>, %arg9: memref<!tpu.dma_semaphore, #tpu.memory_space<semaphore_mem>>, %arg10: memref<!tpu.dma_semaphore, #tpu.memory_space<semaphore_mem>>) attributes {dimension_semantics = [#tpu.dimension_semantics<core_parallel>, #tpu.dimension_semantics<subcore_parallel>], iteration_bounds = array<i64: 2, 16>, scalar_prefetch = 0 : i64, scratch_operands = 6 : i64, tpu.core_type = #tpu.core_type<sc_vector_subcore>, window_params = [{transform_indices = #map}, {transform_indices = #map1}, {transform_indices = #map}]} {
    %mul3A = arith.constant 16 : i32
    %mul3A_0 = arith.muli %arg0, %mul3A : i32
    %add3A = arith.addi %mul3A_0, %arg1 : i32
    %mul3A_1 = arith.constant 1280 : i32
    %mul3A_2 = arith.muli %add3A, %mul3A_1 : i32
    "tpu.region"() ({
      %run_scoped3A = tpu.sem_alloc : memref<!tpu.dma_semaphore, #tpu.memory_space<semaphore_mem>>
      tpu.enqueue_dma source(%arg3 : memref<1024xf32, #tpu.memory_space<hbm>>) target(%arg5 : memref<1024xf32, #tpu.memory_space<vmem>>) target_semaphore(%run_scoped3A : memref<!tpu.dma_semaphore, #tpu.memory_space<semaphore_mem>>)
      tpu.wait_dma2 semaphore(%run_scoped3A : memref<!tpu.dma_semaphore, #tpu.memory_space<semaphore_mem>>) src(%arg3 : memref<1024xf32, #tpu.memory_space<hbm>>) dst(%arg5 : memref<1024xf32, #tpu.memory_space<vmem>>)
      tpu.yield
    }) : () -> ()
    %add3A_3 = arith.constant 0 : i32
    %add3A_4 = arith.addi %mul3A_2, %add3A_3 : i32
    %dma_start3A = arith.constant 0 : i32
    %dma_start3A_5 = tpu.memref_slice %arg2[%add3A_4, %dma_start3A] : memref<100000x1024xf32, #tpu.memory_space<hbm>> -> memref<40x1024xf32, #tpu.memory_space<hbm>>
    %dma_start3A_6 = arith.constant 0 : i32
    %dma_start3A_7 = tpu.memref_slice %arg2[%add3A_4, %dma_start3A_6] : memref<100000x1024xf32, #tpu.memory_space<hbm>> -> memref<40x1024xf32, #tpu.memory_space<hbm>>
    tpu.enqueue_dma source(%dma_start3A_7 : memref<40x1024xf32, #tpu.memory_space<hbm>>) target(%arg6 : memref<40x1024xf32, #tpu.memory_space<vmem>>) target_semaphore(%arg9 : memref<!tpu.dma_semaphore, #tpu.memory_space<semaphore_mem>>)
    %scan3A = arith.constant 0xFF800000 : f32
    %scan3A_8 = arith.constant 1.000000e+00 : f32
    %scan3A_9 = arith.constant 0 : i32
    %scan3A_10 = arith.constant 0 : i32
    %scan3A_11 = arith.constant 0 : i32
    %scan3A_12 = arith.constant 16 : i32
    %scan3A_13 = arith.addi %scan3A_11, %scan3A_12 : i32
    %scan3A_14 = arith.constant 1 : i32
    %scan3A_15:4 = scf.for %scan3A_29 = %scan3A_11 to %scan3A_13 step %scan3A_14 iter_args(%scan3A_30 = %scan3A, %scan3A_31 = %scan3A_8, %scan3A_32 = %scan3A_9, %scan3A_33 = %scan3A_10) -> (f32, f32, i32, i32)  : i32 {
      %mul3A_34 = arith.constant 2 : i32
      %mul3A_35 = arith.muli %scan3A_29, %mul3A_34 : i32
      %add3A_36 = arith.constant 1 : i32
      %add3A_37 = arith.addi %mul3A_35, %add3A_36 : i32
      %mul3A_38 = arith.constant 40 : i32
      %mul3A_39 = arith.muli %add3A_37, %mul3A_38 : i32
      %add3A_40 = arith.addi %mul3A_2, %mul3A_39 : i32
      %dma_start3A_41 = arith.constant 0 : i32
      %dma_start3A_42 = tpu.memref_slice %arg2[%add3A_40, %dma_start3A_41] : memref<100000x1024xf32, #tpu.memory_space<hbm>> -> memref<40x1024xf32, #tpu.memory_space<hbm>>
      %dma_start3A_43 = arith.constant 0 : i32
      %dma_start3A_44 = tpu.memref_slice %arg2[%add3A_40, %dma_start3A_43] : memref<100000x1024xf32, #tpu.memory_space<hbm>> -> memref<40x1024xf32, #tpu.memory_space<hbm>>
      tpu.enqueue_dma source(%dma_start3A_44 : memref<40x1024xf32, #tpu.memory_space<hbm>>) target(%arg7 : memref<40x1024xf32, #tpu.memory_space<vmem>>) target_semaphore(%arg10 : memref<!tpu.dma_semaphore, #tpu.memory_space<semaphore_mem>>)
      %add3A_45 = arith.constant 0 : i32
      %add3A_46 = arith.addi %mul3A_2, %add3A_45 : i32
      %dma_wait3A = arith.constant 0 : i32
      %dma_wait3A_47 = tpu.memref_slice %arg2[%add3A_46, %dma_wait3A] : memref<100000x1024xf32, #tpu.memory_space<hbm>> -> memref<40x1024xf32, #tpu.memory_space<hbm>>
      %dma_wait3A_48 = arith.constant 0 : i32
      %dma_wait3A_49 = tpu.memref_slice %arg2[%add3A_46, %dma_wait3A_48] : memref<100000x1024xf32, #tpu.memory_space<hbm>> -> memref<40x1024xf32, #tpu.memory_space<hbm>>
      tpu.wait_dma2 semaphore(%arg9 : memref<!tpu.dma_semaphore, #tpu.memory_space<semaphore_mem>>) src(%dma_wait3A_49 : memref<40x1024xf32, #tpu.memory_space<hbm>>) dst(%arg6 : memref<40x1024xf32, #tpu.memory_space<vmem>>)
      %scan3A_50 = arith.constant 0 : i32
      %scan3A_51 = arith.constant 10 : i32
      %scan3A_52 = arith.addi %scan3A_50, %scan3A_51 : i32
      %scan3A_53 = arith.constant 1 : i32
      %scan3A_54:4 = scf.for %scan3A_74 = %scan3A_50 to %scan3A_52 step %scan3A_53 iter_args(%scan3A_75 = %scan3A_30, %scan3A_76 = %scan3A_31, %scan3A_77 = %scan3A_32, %scan3A_78 = %scan3A_33) -> (f32, f32, i32, i32)  : i32 {
        %mul3A_79 = arith.constant 4 : i32
        %mul3A_80 = arith.muli %scan3A_74, %mul3A_79 : i32
        %broadcast_in_dim3A_81 = arith.constant 0.000000e+00 : f32
        %broadcast_in_dim3A_82 = vector.broadcast %broadcast_in_dim3A_81 : f32 to vector<16xf32>
        %scan3A_83 = arith.constant 0 : i32
        %scan3A_84 = arith.constant 8 : i32
        %scan3A_85 = arith.addi %scan3A_83, %scan3A_84 : i32
        %scan3A_86 = arith.constant 1 : i32
        %scan3A_87:8 = scf.for %scan3A_193 = %scan3A_83 to %scan3A_85 step %scan3A_86 iter_args(%scan3A_194 = %broadcast_in_dim3A_82, %scan3A_195 = %broadcast_in_dim3A_82, %scan3A_196 = %broadcast_in_dim3A_82, %scan3A_197 = %broadcast_in_dim3A_82, %scan3A_198 = %broadcast_in_dim3A_82, %scan3A_199 = %broadcast_in_dim3A_82, %scan3A_200 = %broadcast_in_dim3A_82, %scan3A_201 = %broadcast_in_dim3A_82) -> (vector<16xf32>, vector<16xf32>, vector<16xf32>, vector<16xf32>, vector<16xf32>, vector<16xf32>, vector<16xf32>, vector<16xf32>)  : i32 {
          %mul3A_202 = arith.constant 8 : i32
          %mul3A_203 = arith.muli %scan3A_193, %mul3A_202 : i32
          %add3A_204 = arith.constant 0 : i32
          %add3A_205 = arith.addi %mul3A_203, %add3A_204 : i32
          %mul3A_206 = arith.constant 16 : i32
          %mul3A_207 = arith.muli %add3A_205, %mul3A_206 : i32
          %get3A = arith.index_cast %mul3A_207 : i32 to index
          %get3A_208 = tpu.vector_load %arg5[%get3A] {strides = array<i32>} : memref<1024xf32, #tpu.memory_space<vmem>>, vector<16xf32>,
          %add3A_209 = arith.constant 0 : i32
          %add3A_210 = arith.addi %mul3A_80, %add3A_209 : i32
          %mul3A_211 = arith.constant 16 : i32
          %mul3A_212 = arith.muli %add3A_205, %mul3A_211 : i32
          %get3A_213 = arith.index_cast %add3A_210 : i32 to index
          %get3A_214 = arith.index_cast %mul3A_212 : i32 to index
          %get3A_215 = tpu.vector_load %arg6[%get3A_213, %get3A_214] {strides = array<i32>} : memref<40x1024xf32, #tpu.memory_space<vmem>>, vector<16xf32>,
          %mul3A_216 = arith.mulf %get3A_215, %get3A_208 : vector<16xf32>
          %add3A_217 = arith.addf %scan3A_194, %mul3A_216 : vector<16xf32>
          %mul3A_218 = arith.mulf %get3A_215, %get3A_215 : vector<16xf32>
          %add3A_219 = arith.addf %scan3A_195, %mul3A_218 : vector<16xf32>
          %add3A_220 = arith.constant 1 : i32
          %add3A_221 = arith.addi %mul3A_80, %add3A_220 : i32
          %mul3A_222 = arith.constant 16 : i32
          %mul3A_223 = arith.muli %add3A_205, %mul3A_222 : i32
          %get3A_224 = arith.index_cast %add3A_221 : i32 to index
          %get3A_225 = arith.index_cast %mul3A_223 : i32 to index
          %get3A_226 = tpu.vector_load %arg6[%get3A_224, %get3A_225] {strides = array<i32>} : memref<40x1024xf32, #tpu.memory_space<vmem>>, vector<16xf32>,
          %mul3A_227 = arith.mulf %get3A_226, %get3A_208 : vector<16xf32>
          %add3A_228 = arith.addf %scan3A_196, %mul3A_227 : vector<16xf32>
          %mul3A_229 = arith.mulf %get3A_226, %get3A_226 : vector<16xf32>
          %add3A_230 = arith.addf %scan3A_197, %mul3A_229 : vector<16xf32>
          %add3A_231 = arith.constant 2 : i32
          %add3A_232 = arith.addi %mul3A_80, %add3A_231 : i32
          %mul3A_233 = arith.constant 16 : i32
          %mul3A_234 = arith.muli %add3A_205, %mul3A_233 : i32
          %get3A_235 = arith.index_cast %add3A_232 : i32 to index
          %get3A_236 = arith.index_cast %mul3A_234 : i32 to index
          %get3A_237 = tpu.vector_load %arg6[%get3A_235, %get3A_236] {strides = array<i32>} : memref<40x1024xf32, #tpu.memory_space<vmem>>, vector<16xf32>,
          %mul3A_238 = arith.mulf %get3A_237, %get3A_208 : vector<16xf32>
          %add3A_239 = arith.addf %scan3A_198, %mul3A_238 : vector<16xf32>
          %mul3A_240 = arith.mulf %get3A_237, %get3A_237 : vector<16xf32>
          %add3A_241 = arith.addf %scan3A_199, %mul3A_240 : vector<16xf32>
          %add3A_242 = arith.constant 3 : i32
          %add3A_243 = arith.addi %mul3A_80, %add3A_242 : i32
          %mul3A_244 = arith.constant 16 : i32
          %mul3A_245 = arith.muli %add3A_205, %mul3A_244 : i32
          %get3A_246 = arith.index_cast %add3A_243 : i32 to index
          %get3A_247 = arith.index_cast %mul3A_245 : i32 to index
          %get3A_248 = tpu.vector_load %arg6[%get3A_246, %get3A_247] {strides = array<i32>} : memref<40x1024xf32, #tpu.memory_space<vmem>>, vector<16xf32>,
          %mul3A_249 = arith.mulf %get3A_248, %get3A_208 : vector<16xf32>
          %add3A_250 = arith.addf %scan3A_200, %mul3A_249 : vector<16xf32>
          %mul3A_251 = arith.mulf %get3A_248, %get3A_248 : vector<16xf32>
          %add3A_252 = arith.addf %scan3A_201, %mul3A_251 : vector<16xf32>
          %mul3A_253 = arith.constant 8 : i32
          %mul3A_254 = arith.muli %scan3A_193, %mul3A_253 : i32
          %add3A_255 = arith.constant 1 : i32
          %add3A_256 = arith.addi %mul3A_254, %add3A_255 : i32
          %mul3A_257 = arith.constant 16 : i32
          %mul3A_258 = arith.muli %add3A_256, %mul3A_257 : i32
          %get3A_259 = arith.index_cast %mul3A_258 : i32 to index
          %get3A_260 = tpu.vector_load %arg5[%get3A_259] {strides = array<i32>} : memref<1024xf32, #tpu.memory_space<vmem>>, vector<16xf32>,
          %add3A_261 = arith.constant 0 : i32
          %add3A_262 = arith.addi %mul3A_80, %add3A_261 : i32
          %mul3A_263 = arith.constant 16 : i32
          %mul3A_264 = arith.muli %add3A_256, %mul3A_263 : i32
          %get3A_265 = arith.index_cast %add3A_262 : i32 to index
          %get3A_266 = arith.index_cast %mul3A_264 : i32 to index
          %get3A_267 = tpu.vector_load %arg6[%get3A_265, %get3A_266] {strides = array<i32>} : memref<40x1024xf32, #tpu.memory_space<vmem>>, vector<16xf32>,
          %mul3A_268 = arith.mulf %get3A_267, %get3A_260 : vector<16xf32>
          %add3A_269 = arith.addf %add3A_217, %mul3A_268 : vector<16xf32>
          %mul3A_270 = arith.mulf %get3A_267, %get3A_267 : vector<16xf32>
          %add3A_271 = arith.addf %add3A_219, %mul3A_270 : vector<16xf32>
          %add3A_272 = arith.constant 1 : i32
          %add3A_273 = arith.addi %mul3A_80, %add3A_272 : i32
          %mul3A_274 = arith.constant 16 : i32
          %mul3A_275 = arith.muli %add3A_256, %mul3A_274 : i32
          %get3A_276 = arith.index_cast %add3A_273 : i32 to index
          %get3A_277 = arith.index_cast %mul3A_275 : i32 to index
          %get3A_278 = tpu.vector_load %arg6[%get3A_276, %get3A_277] {strides = array<i32>} : memref<40x1024xf32, #tpu.memory_space<vmem>>, vector<16xf32>,
          %mul3A_279 = arith.mulf %get3A_278, %get3A_260 : vector<16xf32>
          %add3A_280 = arith.addf %add3A_228, %mul3A_279 : vector<16xf32>
          %mul3A_281 = arith.mulf %get3A_278, %get3A_278 : vector<16xf32>
          %add3A_282 = arith.addf %add3A_230, %mul3A_281 : vector<16xf32>
          %add3A_283 = arith.constant 2 : i32
          %add3A_284 = arith.addi %mul3A_80, %add3A_283 : i32
          %mul3A_285 = arith.constant 16 : i32
          %mul3A_286 = arith.muli %add3A_256, %mul3A_285 : i32
          %get3A_287 = arith.index_cast %add3A_284 : i32 to index
          %get3A_288 = arith.index_cast %mul3A_286 : i32 to index
          %get3A_289 = tpu.vector_load %arg6[%get3A_287, %get3A_288] {strides = array<i32>} : memref<40x1024xf32, #tpu.memory_space<vmem>>, vector<16xf32>,
          %mul3A_290 = arith.mulf %get3A_289, %get3A_260 : vector<16xf32>
          %add3A_291 = arith.addf %add3A_239, %mul3A_290 : vector<16xf32>
          %mul3A_292 = arith.mulf %get3A_289, %get3A_289 : vector<16xf32>
          %add3A_293 = arith.addf %add3A_241, %mul3A_292 : vector<16xf32>
          %add3A_294 = arith.constant 3 : i32
          %add3A_295 = arith.addi %mul3A_80, %add3A_294 : i32
          %mul3A_296 = arith.constant 16 : i32
          %mul3A_297 = arith.muli %add3A_256, %mul3A_296 : i32
          %get3A_298 = arith.index_cast %add3A_295 : i32 to index
          %get3A_299 = arith.index_cast %mul3A_297 : i32 to index
          %get3A_300 = tpu.vector_load %arg6[%get3A_298, %get3A_299] {strides = array<i32>} : memref<40x1024xf32, #tpu.memory_space<vmem>>, vector<16xf32>,
          %mul3A_301 = arith.mulf %get3A_300, %get3A_260 : vector<16xf32>
          %add3A_302 = arith.addf %add3A_250, %mul3A_301 : vector<16xf32>
          %mul3A_303 = arith.mulf %get3A_300, %get3A_300 : vector<16xf32>
          %add3A_304 = arith.addf %add3A_252, %mul3A_303 : vector<16xf32>
          %mul3A_305 = arith.constant 8 : i32
          %mul3A_306 = arith.muli %scan3A_193, %mul3A_305 : i32
          %add3A_307 = arith.constant 2 : i32
          %add3A_308 = arith.addi %mul3A_306, %add3A_307 : i32
          %mul3A_309 = arith.constant 16 : i32
          %mul3A_310 = arith.muli %add3A_308, %mul3A_309 : i32
          %get3A_311 = arith.index_cast %mul3A_310 : i32 to index
          %get3A_312 = tpu.vector_load %arg5[%get3A_311] {strides = array<i32>} : memref<1024xf32, #tpu.memory_space<vmem>>, vector<16xf32>,
          %add3A_313 = arith.constant 0 : i32
          %add3A_314 = arith.addi %mul3A_80, %add3A_313 : i32
          %mul3A_315 = arith.constant 16 : i32
          %mul3A_316 = arith.muli %add3A_308, %mul3A_315 : i32
          %get3A_317 = arith.index_cast %add3A_314 : i32 to index
          %get3A_318 = arith.index_cast %mul3A_316 : i32 to index
          %get3A_319 = tpu.vector_load %arg6[%get3A_317, %get3A_318] {strides = array<i32>} : memref<40x1024xf32, #tpu.memory_space<vmem>>, vector<16xf32>,
          %mul3A_320 = arith.mulf %get3A_319, %get3A_312 : vector<16xf32>
          %add3A_321 = arith.addf %add3A_269, %mul3A_320 : vector<16xf32>
          %mul3A_322 = arith.mulf %get3A_319, %get3A_319 : vector<16xf32>
          %add3A_323 = arith.addf %add3A_271, %mul3A_322 : vector<16xf32>
          %add3A_324 = arith.constant 1 : i32
          %add3A_325 = arith.addi %mul3A_80, %add3A_324 : i32
          %mul3A_326 = arith.constant 16 : i32
          %mul3A_327 = arith.muli %add3A_308, %mul3A_326 : i32
          %get3A_328 = arith.index_cast %add3A_325 : i32 to index
          %get3A_329 = arith.index_cast %mul3A_327 : i32 to index
          %get3A_330 = tpu.vector_load %arg6[%get3A_328, %get3A_329] {strides = array<i32>} : memref<40x1024xf32, #tpu.memory_space<vmem>>, vector<16xf32>,
          %mul3A_331 = arith.mulf %get3A_330, %get3A_312 : vector<16xf32>
          %add3A_332 = arith.addf %add3A_280, %mul3A_331 : vector<16xf32>
          %mul3A_333 = arith.mulf %get3A_330, %get3A_330 : vector<16xf32>
          %add3A_334 = arith.addf %add3A_282, %mul3A_333 : vector<16xf32>
          %add3A_335 = arith.constant 2 : i32
          %add3A_336 = arith.addi %mul3A_80, %add3A_335 : i32
          %mul3A_337 = arith.constant 16 : i32
          %mul3A_338 = arith.muli %add3A_308, %mul3A_337 : i32
          %get3A_339 = arith.index_cast %add3A_336 : i32 to index
          %get3A_340 = arith.index_cast %mul3A_338 : i32 to index
          %get3A_341 = tpu.vector_load %arg6[%get3A_339, %get3A_340] {strides = array<i32>} : memref<40x1024xf32, #tpu.memory_space<vmem>>, vector<16xf32>,
          %mul3A_342 = arith.mulf %get3A_341, %get3A_312 : vector<16xf32>
          %add3A_343 = arith.addf %add3A_291, %mul3A_342 : vector<16xf32>
          %mul3A_344 = arith.mulf %get3A_341, %get3A_341 : vector<16xf32>
          %add3A_345 = arith.addf %add3A_293, %mul3A_344 : vector<16xf32>
          %add3A_346 = arith.constant 3 : i32
          %add3A_347 = arith.addi %mul3A_80, %add3A_346 : i32
          %mul3A_348 = arith.constant 16 : i32
          %mul3A_349 = arith.muli %add3A_308, %mul3A_348 : i32
          %get3A_350 = arith.index_cast %add3A_347 : i32 to index
          %get3A_351 = arith.index_cast %mul3A_349 : i32 to index
          %get3A_352 = tpu.vector_load %arg6[%get3A_350, %get3A_351] {strides = array<i32>} : memref<40x1024xf32, #tpu.memory_space<vmem>>, vector<16xf32>,
          %mul3A_353 = arith.mulf %get3A_352, %get3A_312 : vector<16xf32>
          %add3A_354 = arith.addf %add3A_302, %mul3A_353 : vector<16xf32>
          %mul3A_355 = arith.mulf %get3A_352, %get3A_352 : vector<16xf32>
          %add3A_356 = arith.addf %add3A_304, %mul3A_355 : vector<16xf32>
          %mul3A_357 = arith.constant 8 : i32
          %mul3A_358 = arith.muli %scan3A_193, %mul3A_357 : i32
          %add3A_359 = arith.constant 3 : i32
          %add3A_360 = arith.addi %mul3A_358, %add3A_359 : i32
          %mul3A_361 = arith.constant 16 : i32
          %mul3A_362 = arith.muli %add3A_360, %mul3A_361 : i32
          %get3A_363 = arith.index_cast %mul3A_362 : i32 to index
          %get3A_364 = tpu.vector_load %arg5[%get3A_363] {strides = array<i32>} : memref<1024xf32, #tpu.memory_space<vmem>>, vector<16xf32>,
          %add3A_365 = arith.constant 0 : i32
          %add3A_366 = arith.addi %mul3A_80, %add3A_365 : i32
          %mul3A_367 = arith.constant 16 : i32
          %mul3A_368 = arith.muli %add3A_360, %mul3A_367 : i32
          %get3A_369 = arith.index_cast %add3A_366 : i32 to index
          %get3A_370 = arith.index_cast %mul3A_368 : i32 to index
          %get3A_371 = tpu.vector_load %arg6[%get3A_369, %get3A_370] {strides = array<i32>} : memref<40x1024xf32, #tpu.memory_space<vmem>>, vector<16xf32>,
          %mul3A_372 = arith.mulf %get3A_371, %get3A_364 : vector<16xf32>
          %add3A_373 = arith.addf %add3A_321, %mul3A_372 : vector<16xf32>
          %mul3A_374 = arith.mulf %get3A_371, %get3A_371 : vector<16xf32>
          %add3A_375 = arith.addf %add3A_323, %mul3A_374 : vector<16xf32>
          %add3A_376 = arith.constant 1 : i32
          %add3A_377 = arith.addi %mul3A_80, %add3A_376 : i32
          %mul3A_378 = arith.constant 16 : i32
          %mul3A_379 = arith.muli %add3A_360, %mul3A_378 : i32
          %get3A_380 = arith.index_cast %add3A_377 : i32 to index
          %get3A_381 = arith.index_cast %mul3A_379 : i32 to index
          %get3A_382 = tpu.vector_load %arg6[%get3A_380, %get3A_381] {strides = array<i32>} : memref<40x1024xf32, #tpu.memory_space<vmem>>, vector<16xf32>,
          %mul3A_383 = arith.mulf %get3A_382, %get3A_364 : vector<16xf32>
          %add3A_384 = arith.addf %add3A_332, %mul3A_383 : vector<16xf32>
          %mul3A_385 = arith.mulf %get3A_382, %get3A_382 : vector<16xf32>
          %add3A_386 = arith.addf %add3A_334, %mul3A_385 : vector<16xf32>
          %add3A_387 = arith.constant 2 : i32
          %add3A_388 = arith.addi %mul3A_80, %add3A_387 : i32
          %mul3A_389 = arith.constant 16 : i32
          %mul3A_390 = arith.muli %add3A_360, %mul3A_389 : i32
          %get3A_391 = arith.index_cast %add3A_388 : i32 to index
          %get3A_392 = arith.index_cast %mul3A_390 : i32 to index
          %get3A_393 = tpu.vector_load %arg6[%get3A_391, %get3A_392] {strides = array<i32>} : memref<40x1024xf32, #tpu.memory_space<vmem>>, vector<16xf32>,
          %mul3A_394 = arith.mulf %get3A_393, %get3A_364 : vector<16xf32>
          %add3A_395 = arith.addf %add3A_343, %mul3A_394 : vector<16xf32>
          %mul3A_396 = arith.mulf %get3A_393, %get3A_393 : vector<16xf32>
          %add3A_397 = arith.addf %add3A_345, %mul3A_396 : vector<16xf32>
          %add3A_398 = arith.constant 3 : i32
          %add3A_399 = arith.addi %mul3A_80, %add3A_398 : i32
          %mul3A_400 = arith.constant 16 : i32
          %mul3A_401 = arith.muli %add3A_360, %mul3A_400 : i32
          %get3A_402 = arith.index_cast %add3A_399 : i32 to index
          %get3A_403 = arith.index_cast %mul3A_401 : i32 to index
          %get3A_404 = tpu.vector_load %arg6[%get3A_402, %get3A_403] {strides = array<i32>} : memref<40x1024xf32, #tpu.memory_space<vmem>>, vector<16xf32>,
          %mul3A_405 = arith.mulf %get3A_404, %get3A_364 : vector<16xf32>
          %add3A_406 = arith.addf %add3A_354, %mul3A_405 : vector<16xf32>
          %mul3A_407 = arith.mulf %get3A_404, %get3A_404 : vector<16xf32>
          %add3A_408 = arith.addf %add3A_356, %mul3A_407 : vector<16xf32>
          %mul3A_409 = arith.constant 8 : i32
          %mul3A_410 = arith.muli %scan3A_193, %mul3A_409 : i32
          %add3A_411 = arith.constant 4 : i32
          %add3A_412 = arith.addi %mul3A_410, %add3A_411 : i32
          %mul3A_413 = arith.constant 16 : i32
          %mul3A_414 = arith.muli %add3A_412, %mul3A_413 : i32
          %get3A_415 = arith.index_cast %mul3A_414 : i32 to index
          %get3A_416 = tpu.vector_load %arg5[%get3A_415] {strides = array<i32>} : memref<1024xf32, #tpu.memory_space<vmem>>, vector<16xf32>,
          %add3A_417 = arith.constant 0 : i32
          %add3A_418 = arith.addi %mul3A_80, %add3A_417 : i32
          %mul3A_419 = arith.constant 16 : i32
          %mul3A_420 = arith.muli %add3A_412, %mul3A_419 : i32
          %get3A_421 = arith.index_cast %add3A_418 : i32 to index
          %get3A_422 = arith.index_cast %mul3A_420 : i32 to index
          %get3A_423 = tpu.vector_load %arg6[%get3A_421, %get3A_422] {strides = array<i32>} : memref<40x1024xf32, #tpu.memory_space<vmem>>, vector<16xf32>,
          %mul3A_424 = arith.mulf %get3A_423, %get3A_416 : vector<16xf32>
          %add3A_425 = arith.addf %add3A_373, %mul3A_424 : vector<16xf32>
          %mul3A_426 = arith.mulf %get3A_423, %get3A_423 : vector<16xf32>
          %add3A_427 = arith.addf %add3A_375, %mul3A_426 : vector<16xf32>
          %add3A_428 = arith.constant 1 : i32
          %add3A_429 = arith.addi %mul3A_80, %add3A_428 : i32
          %mul3A_430 = arith.constant 16 : i32
          %mul3A_431 = arith.muli %add3A_412, %mul3A_430 : i32
          %get3A_432 = arith.index_cast %add3A_429 : i32 to index
          %get3A_433 = arith.index_cast %mul3A_431 : i32 to index
          %get3A_434 = tpu.vector_load %arg6[%get3A_432, %get3A_433] {strides = array<i32>} : memref<40x1024xf32, #tpu.memory_space<vmem>>, vector<16xf32>,
          %mul3A_435 = arith.mulf %get3A_434, %get3A_416 : vector<16xf32>
          %add3A_436 = arith.addf %add3A_384, %mul3A_435 : vector<16xf32>
          %mul3A_437 = arith.mulf %get3A_434, %get3A_434 : vector<16xf32>
          %add3A_438 = arith.addf %add3A_386, %mul3A_437 : vector<16xf32>
          %add3A_439 = arith.constant 2 : i32
          %add3A_440 = arith.addi %mul3A_80, %add3A_439 : i32
          %mul3A_441 = arith.constant 16 : i32
          %mul3A_442 = arith.muli %add3A_412, %mul3A_441 : i32
          %get3A_443 = arith.index_cast %add3A_440 : i32 to index
          %get3A_444 = arith.index_cast %mul3A_442 : i32 to index
          %get3A_445 = tpu.vector_load %arg6[%get3A_443, %get3A_444] {strides = array<i32>} : memref<40x1024xf32, #tpu.memory_space<vmem>>, vector<16xf32>,
          %mul3A_446 = arith.mulf %get3A_445, %get3A_416 : vector<16xf32>
          %add3A_447 = arith.addf %add3A_395, %mul3A_446 : vector<16xf32>
          %mul3A_448 = arith.mulf %get3A_445, %get3A_445 : vector<16xf32>
          %add3A_449 = arith.addf %add3A_397, %mul3A_448 : vector<16xf32>
          %add3A_450 = arith.constant 3 : i32
          %add3A_451 = arith.addi %mul3A_80, %add3A_450 : i32
          %mul3A_452 = arith.constant 16 : i32
          %mul3A_453 = arith.muli %add3A_412, %mul3A_452 : i32
          %get3A_454 = arith.index_cast %add3A_451 : i32 to index
          %get3A_455 = arith.index_cast %mul3A_453 : i32 to index
          %get3A_456 = tpu.vector_load %arg6[%get3A_454, %get3A_455] {strides = array<i32>} : memref<40x1024xf32, #tpu.memory_space<vmem>>, vector<16xf32>,
          %mul3A_457 = arith.mulf %get3A_456, %get3A_416 : vector<16xf32>
          %add3A_458 = arith.addf %add3A_406, %mul3A_457 : vector<16xf32>
          %mul3A_459 = arith.mulf %get3A_456, %get3A_456 : vector<16xf32>
          %add3A_460 = arith.addf %add3A_408, %mul3A_459 : vector<16xf32>
          %mul3A_461 = arith.constant 8 : i32
          %mul3A_462 = arith.muli %scan3A_193, %mul3A_461 : i32
          %add3A_463 = arith.constant 5 : i32
          %add3A_464 = arith.addi %mul3A_462, %add3A_463 : i32
          %mul3A_465 = arith.constant 16 : i32
          %mul3A_466 = arith.muli %add3A_464, %mul3A_465 : i32
          %get3A_467 = arith.index_cast %mul3A_466 : i32 to index
          %get3A_468 = tpu.vector_load %arg5[%get3A_467] {strides = array<i32>} : memref<1024xf32, #tpu.memory_space<vmem>>, vector<16xf32>,
          %add3A_469 = arith.constant 0 : i32
          %add3A_470 = arith.addi %mul3A_80, %add3A_469 : i32
          %mul3A_471 = arith.constant 16 : i32
          %mul3A_472 = arith.muli %add3A_464, %mul3A_471 : i32
          %get3A_473 = arith.index_cast %add3A_470 : i32 to index
          %get3A_474 = arith.index_cast %mul3A_472 : i32 to index
          %get3A_475 = tpu.vector_load %arg6[%get3A_473, %get3A_474] {strides = array<i32>} : memref<40x1024xf32, #tpu.memory_space<vmem>>, vector<16xf32>,
          %mul3A_476 = arith.mulf %get3A_475, %get3A_468 : vector<16xf32>
          %add3A_477 = arith.addf %add3A_425, %mul3A_476 : vector<16xf32>
          %mul3A_478 = arith.mulf %get3A_475, %get3A_475 : vector<16xf32>
          %add3A_479 = arith.addf %add3A_427, %mul3A_478 : vector<16xf32>
          %add3A_480 = arith.constant 1 : i32
          %add3A_481 = arith.addi %mul3A_80, %add3A_480 : i32
          %mul3A_482 = arith.constant 16 : i32
          %mul3A_483 = arith.muli %add3A_464, %mul3A_482 : i32
          %get3A_484 = arith.index_cast %add3A_481 : i32 to index
          %get3A_485 = arith.index_cast %mul3A_483 : i32 to index
          %get3A_486 = tpu.vector_load %arg6[%get3A_484, %get3A_485] {strides = array<i32>} : memref<40x1024xf32, #tpu.memory_space<vmem>>, vector<16xf32>,
          %mul3A_487 = arith.mulf %get3A_486, %get3A_468 : vector<16xf32>
          %add3A_488 = arith.addf %add3A_436, %mul3A_487 : vector<16xf32>
          %mul3A_489 = arith.mulf %get3A_486, %get3A_486 : vector<16xf32>
          %add3A_490 = arith.addf %add3A_438, %mul3A_489 : vector<16xf32>
          %add3A_491 = arith.constant 2 : i32
          %add3A_492 = arith.addi %mul3A_80, %add3A_491 : i32
          %mul3A_493 = arith.constant 16 : i32
          %mul3A_494 = arith.muli %add3A_464, %mul3A_493 : i32
          %get3A_495 = arith.index_cast %add3A_492 : i32 to index
          %get3A_496 = arith.index_cast %mul3A_494 : i32 to index
          %get3A_497 = tpu.vector_load %arg6[%get3A_495, %get3A_496] {strides = array<i32>} : memref<40x1024xf32, #tpu.memory_space<vmem>>, vector<16xf32>,
          %mul3A_498 = arith.mulf %get3A_497, %get3A_468 : vector<16xf32>
          %add3A_499 = arith.addf %add3A_447, %mul3A_498 : vector<16xf32>
          %mul3A_500 = arith.mulf %get3A_497, %get3A_497 : vector<16xf32>
          %add3A_501 = arith.addf %add3A_449, %mul3A_500 : vector<16xf32>
          %add3A_502 = arith.constant 3 : i32
          %add3A_503 = arith.addi %mul3A_80, %add3A_502 : i32
          %mul3A_504 = arith.constant 16 : i32
          %mul3A_505 = arith.muli %add3A_464, %mul3A_504 : i32
          %get3A_506 = arith.index_cast %add3A_503 : i32 to index
          %get3A_507 = arith.index_cast %mul3A_505 : i32 to index
          %get3A_508 = tpu.vector_load %arg6[%get3A_506, %get3A_507] {strides = array<i32>} : memref<40x1024xf32, #tpu.memory_space<vmem>>, vector<16xf32>,
          %mul3A_509 = arith.mulf %get3A_508, %get3A_468 : vector<16xf32>
          %add3A_510 = arith.addf %add3A_458, %mul3A_509 : vector<16xf32>
          %mul3A_511 = arith.mulf %get3A_508, %get3A_508 : vector<16xf32>
          %add3A_512 = arith.addf %add3A_460, %mul3A_511 : vector<16xf32>
          %mul3A_513 = arith.constant 8 : i32
          %mul3A_514 = arith.muli %scan3A_193, %mul3A_513 : i32
          %add3A_515 = arith.constant 6 : i32
          %add3A_516 = arith.addi %mul3A_514, %add3A_515 : i32
          %mul3A_517 = arith.constant 16 : i32
          %mul3A_518 = arith.muli %add3A_516, %mul3A_517 : i32
          %get3A_519 = arith.index_cast %mul3A_518 : i32 to index
          %get3A_520 = tpu.vector_load %arg5[%get3A_519] {strides = array<i32>} : memref<1024xf32, #tpu.memory_space<vmem>>, vector<16xf32>,
          %add3A_521 = arith.constant 0 : i32
          %add3A_522 = arith.addi %mul3A_80, %add3A_521 : i32
          %mul3A_523 = arith.constant 16 : i32
          %mul3A_524 = arith.muli %add3A_516, %mul3A_523 : i32
          %get3A_525 = arith.index_cast %add3A_522 : i32 to index
          %get3A_526 = arith.index_cast %mul3A_524 : i32 to index
          %get3A_527 = tpu.vector_load %arg6[%get3A_525, %get3A_526] {strides = array<i32>} : memref<40x1024xf32, #tpu.memory_space<vmem>>, vector<16xf32>,
          %mul3A_528 = arith.mulf %get3A_527, %get3A_520 : vector<16xf32>
          %add3A_529 = arith.addf %add3A_477, %mul3A_528 : vector<16xf32>
          %mul3A_530 = arith.mulf %get3A_527, %get3A_527 : vector<16xf32>
          %add3A_531 = arith.addf %add3A_479, %mul3A_530 : vector<16xf32>
          %add3A_532 = arith.constant 1 : i32
          %add3A_533 = arith.addi %mul3A_80, %add3A_532 : i32
          %mul3A_534 = arith.constant 16 : i32
          %mul3A_535 = arith.muli %add3A_516, %mul3A_534 : i32
          %get3A_536 = arith.index_cast %add3A_533 : i32 to index
          %get3A_537 = arith.index_cast %mul3A_535 : i32 to index
          %get3A_538 = tpu.vector_load %arg6[%get3A_536, %get3A_537] {strides = array<i32>} : memref<40x1024xf32, #tpu.memory_space<vmem>>, vector<16xf32>,
          %mul3A_539 = arith.mulf %get3A_538, %get3A_520 : vector<16xf32>
          %add3A_540 = arith.addf %add3A_488, %mul3A_539 : vector<16xf32>
          %mul3A_541 = arith.mulf %get3A_538, %get3A_538 : vector<16xf32>
          %add3A_542 = arith.addf %add3A_490, %mul3A_541 : vector<16xf32>
          %add3A_543 = arith.constant 2 : i32
          %add3A_544 = arith.addi %mul3A_80, %add3A_543 : i32
          %mul3A_545 = arith.constant 16 : i32
          %mul3A_546 = arith.muli %add3A_516, %mul3A_545 : i32
          %get3A_547 = arith.index_cast %add3A_544 : i32 to index
          %get3A_548 = arith.index_cast %mul3A_546 : i32 to index
          %get3A_549 = tpu.vector_load %arg6[%get3A_547, %get3A_548] {strides = array<i32>} : memref<40x1024xf32, #tpu.memory_space<vmem>>, vector<16xf32>,
          %mul3A_550 = arith.mulf %get3A_549, %get3A_520 : vector<16xf32>
          %add3A_551 = arith.addf %add3A_499, %mul3A_550 : vector<16xf32>
          %mul3A_552 = arith.mulf %get3A_549, %get3A_549 : vector<16xf32>
          %add3A_553 = arith.addf %add3A_501, %mul3A_552 : vector<16xf32>
          %add3A_554 = arith.constant 3 : i32
          %add3A_555 = arith.addi %mul3A_80, %add3A_554 : i32
          %mul3A_556 = arith.constant 16 : i32
          %mul3A_557 = arith.muli %add3A_516, %mul3A_556 : i32
          %get3A_558 = arith.index_cast %add3A_555 : i32 to index
          %get3A_559 = arith.index_cast %mul3A_557 : i32 to index
          %get3A_560 = tpu.vector_load %arg6[%get3A_558, %get3A_559] {strides = array<i32>} : memref<40x1024xf32, #tpu.memory_space<vmem>>, vector<16xf32>,
          %mul3A_561 = arith.mulf %get3A_560, %get3A_520 : vector<16xf32>
          %add3A_562 = arith.addf %add3A_510, %mul3A_561 : vector<16xf32>
          %mul3A_563 = arith.mulf %get3A_560, %get3A_560 : vector<16xf32>
          %add3A_564 = arith.addf %add3A_512, %mul3A_563 : vector<16xf32>
          %mul3A_565 = arith.constant 8 : i32
          %mul3A_566 = arith.muli %scan3A_193, %mul3A_565 : i32
          %add3A_567 = arith.constant 7 : i32
          %add3A_568 = arith.addi %mul3A_566, %add3A_567 : i32
          %mul3A_569 = arith.constant 16 : i32
          %mul3A_570 = arith.muli %add3A_568, %mul3A_569 : i32
          %get3A_571 = arith.index_cast %mul3A_570 : i32 to index
          %get3A_572 = tpu.vector_load %arg5[%get3A_571] {strides = array<i32>} : memref<1024xf32, #tpu.memory_space<vmem>>, vector<16xf32>,
          %add3A_573 = arith.constant 0 : i32
          %add3A_574 = arith.addi %mul3A_80, %add3A_573 : i32
          %mul3A_575 = arith.constant 16 : i32
          %mul3A_576 = arith.muli %add3A_568, %mul3A_575 : i32
          %get3A_577 = arith.index_cast %add3A_574 : i32 to index
          %get3A_578 = arith.index_cast %mul3A_576 : i32 to index
          %get3A_579 = tpu.vector_load %arg6[%get3A_577, %get3A_578] {strides = array<i32>} : memref<40x1024xf32, #tpu.memory_space<vmem>>, vector<16xf32>,
          %mul3A_580 = arith.mulf %get3A_579, %get3A_572 : vector<16xf32>
          %add3A_581 = arith.addf %add3A_529, %mul3A_580 : vector<16xf32>
          %mul3A_582 = arith.mulf %get3A_579, %get3A_579 : vector<16xf32>
          %add3A_583 = arith.addf %add3A_531, %mul3A_582 : vector<16xf32>
          %add3A_584 = arith.constant 1 : i32
          %add3A_585 = arith.addi %mul3A_80, %add3A_584 : i32
          %mul3A_586 = arith.constant 16 : i32
          %mul3A_587 = arith.muli %add3A_568, %mul3A_586 : i32
          %get3A_588 = arith.index_cast %add3A_585 : i32 to index
          %get3A_589 = arith.index_cast %mul3A_587 : i32 to index
          %get3A_590 = tpu.vector_load %arg6[%get3A_588, %get3A_589] {strides = array<i32>} : memref<40x1024xf32, #tpu.memory_space<vmem>>, vector<16xf32>,
          %mul3A_591 = arith.mulf %get3A_590, %get3A_572 : vector<16xf32>
          %add3A_592 = arith.addf %add3A_540, %mul3A_591 : vector<16xf32>
          %mul3A_593 = arith.mulf %get3A_590, %get3A_590 : vector<16xf32>
          %add3A_594 = arith.addf %add3A_542, %mul3A_593 : vector<16xf32>
          %add3A_595 = arith.constant 2 : i32
          %add3A_596 = arith.addi %mul3A_80, %add3A_595 : i32
          %mul3A_597 = arith.constant 16 : i32
          %mul3A_598 = arith.muli %add3A_568, %mul3A_597 : i32
          %get3A_599 = arith.index_cast %add3A_596 : i32 to index
          %get3A_600 = arith.index_cast %mul3A_598 : i32 to index
          %get3A_601 = tpu.vector_load %arg6[%get3A_599, %get3A_600] {strides = array<i32>} : memref<40x1024xf32, #tpu.memory_space<vmem>>, vector<16xf32>,
          %mul3A_602 = arith.mulf %get3A_601, %get3A_572 : vector<16xf32>
          %add3A_603 = arith.addf %add3A_551, %mul3A_602 : vector<16xf32>
          %mul3A_604 = arith.mulf %get3A_601, %get3A_601 : vector<16xf32>
          %add3A_605 = arith.addf %add3A_553, %mul3A_604 : vector<16xf32>
          %add3A_606 = arith.constant 3 : i32
          %add3A_607 = arith.addi %mul3A_80, %add3A_606 : i32
          %mul3A_608 = arith.constant 16 : i32
          %mul3A_609 = arith.muli %add3A_568, %mul3A_608 : i32
          %get3A_610 = arith.index_cast %add3A_607 : i32 to index
          %get3A_611 = arith.index_cast %mul3A_609 : i32 to index
          %get3A_612 = tpu.vector_load %arg6[%get3A_610, %get3A_611] {strides = array<i32>} : memref<40x1024xf32, #tpu.memory_space<vmem>>, vector<16xf32>,
          %mul3A_613 = arith.mulf %get3A_612, %get3A_572 : vector<16xf32>
          %add3A_614 = arith.addf %add3A_562, %mul3A_613 : vector<16xf32>
          %mul3A_615 = arith.mulf %get3A_612, %get3A_612 : vector<16xf32>
          %add3A_616 = arith.addf %add3A_564, %mul3A_615 : vector<16xf32>
          scf.yield %add3A_581, %add3A_583, %add3A_592, %add3A_594, %add3A_603, %add3A_605, %add3A_614, %add3A_616 : vector<16xf32>, vector<16xf32>, vector<16xf32>, vector<16xf32>, vector<16xf32>, vector<16xf32>, vector<16xf32>, vector<16xf32>
        }
        %scan3A_88 = arith.constant 8 : i32
        %reduce_sum3A = arith.constant true
        %reduce_sum3A_89 = vector.broadcast %reduce_sum3A : i1 to vector<16xi1>
        %reduce_sum3A_90 = tpu.scan <sum>, %scan3A_87#0 masked %reduce_sum3A_89 : vector<16xf32>, vector<16xi1> -> vector<16xf32>
        %reduce_sum3A_91 = vector.extract %reduce_sum3A_90[15] : f32 from vector<16xf32>
        %reduce_sum3A_92 = arith.constant true
        %reduce_sum3A_93 = vector.broadcast %reduce_sum3A_92 : i1 to vector<16xi1>
        %reduce_sum3A_94 = tpu.scan <sum>, %scan3A_87#1 masked %reduce_sum3A_93 : vector<16xf32>, vector<16xi1> -> vector<16xf32>
        %reduce_sum3A_95 = vector.extract %reduce_sum3A_94[15] : f32 from vector<16xf32>
        %ge3A = arith.constant 0.000000e+00 : f32
        %ge3A_96 = arith.cmpf oge, %reduce_sum3A_91, %ge3A : f32
        %ge3A_97 = arith.constant 0.000000e+00 : f32
        %ge3A_98 = arith.cmpf oge, %scan3A_75, %ge3A_97 : f32
        %mul3A_99 = arith.mulf %reduce_sum3A_91, %reduce_sum3A_91 : f32
        %mul3A_100 = arith.mulf %mul3A_99, %scan3A_76 : f32
        %mul3A_101 = arith.mulf %scan3A_75, %scan3A_75 : f32
        %mul3A_102 = arith.mulf %mul3A_101, %reduce_sum3A_95 : f32
        %ne3A = arith.xori %ge3A_96, %ge3A_98 : i1
        %gt3A = arith.cmpf ogt, %mul3A_100, %mul3A_102 : f32
        %lt3A_103 = arith.cmpf olt, %mul3A_100, %mul3A_102 : f32
        %select_n3A_104 = arith.select %ge3A_96, %gt3A, %lt3A_103 : i1
        %select_n3A_105 = arith.select %ne3A, %ge3A_96, %select_n3A_104 : i1
        %select_n3A_106 = arith.select %select_n3A_105, %reduce_sum3A_91, %scan3A_75 : f32
        %select_n3A_107 = arith.select %select_n3A_105, %reduce_sum3A_95, %scan3A_76 : f32
        %select_n3A_108 = arith.select %select_n3A_105, %mul3A_35, %scan3A_77 : i32
        %add3A_109 = arith.constant 0 : i32
        %add3A_110 = arith.addi %mul3A_80, %add3A_109 : i32
        %select_n3A_111 = arith.select %select_n3A_105, %add3A_110, %scan3A_78 : i32
        %reduce_sum3A_112 = arith.constant true
        %reduce_sum3A_113 = vector.broadcast %reduce_sum3A_112 : i1 to vector<16xi1>
        %reduce_sum3A_114 = tpu.scan <sum>, %scan3A_87#2 masked %reduce_sum3A_113 : vector<16xf32>, vector<16xi1> -> vector<16xf32>
        %reduce_sum3A_115 = vector.extract %reduce_sum3A_114[15] : f32 from vector<16xf32>
        %reduce_sum3A_116 = arith.constant true
        %reduce_sum3A_117 = vector.broadcast %reduce_sum3A_116 : i1 to vector<16xi1>
        %reduce_sum3A_118 = tpu.scan <sum>, %scan3A_87#3 masked %reduce_sum3A_117 : vector<16xf32>, vector<16xi1> -> vector<16xf32>
        %reduce_sum3A_119 = vector.extract %reduce_sum3A_118[15] : f32 from vector<16xf32>
        %ge3A_120 = arith.constant 0.000000e+00 : f32
        %ge3A_121 = arith.cmpf oge, %reduce_sum3A_115, %ge3A_120 : f32
        %ge3A_122 = arith.constant 0.000000e+00 : f32
        %ge3A_123 = arith.cmpf oge, %select_n3A_106, %ge3A_122 : f32
        %mul3A_124 = arith.mulf %reduce_sum3A_115, %reduce_sum3A_115 : f32
        %mul3A_125 = arith.mulf %mul3A_124, %select_n3A_107 : f32
        %mul3A_126 = arith.mulf %select_n3A_106, %select_n3A_106 : f32
        %mul3A_127 = arith.mulf %mul3A_126, %reduce_sum3A_119 : f32
        %ne3A_128 = arith.xori %ge3A_121, %ge3A_123 : i1
        %gt3A_129 = arith.cmpf ogt, %mul3A_125, %mul3A_127 : f32
        %lt3A_130 = arith.cmpf olt, %mul3A_125, %mul3A_127 : f32
        %select_n3A_131 = arith.select %ge3A_121, %gt3A_129, %lt3A_130 : i1
        %select_n3A_132 = arith.select %ne3A_128, %ge3A_121, %select_n3A_131 : i1
        %select_n3A_133 = arith.select %select_n3A_132, %reduce_sum3A_115, %select_n3A_106 : f32
        %select_n3A_134 = arith.select %select_n3A_132, %reduce_sum3A_119, %select_n3A_107 : f32
        %select_n3A_135 = arith.select %select_n3A_132, %mul3A_35, %select_n3A_108 : i32
        %add3A_136 = arith.constant 1 : i32
        %add3A_137 = arith.addi %mul3A_80, %add3A_136 : i32
        %select_n3A_138 = arith.select %select_n3A_132, %add3A_137, %select_n3A_111 : i32
        %reduce_sum3A_139 = arith.constant true
        %reduce_sum3A_140 = vector.broadcast %reduce_sum3A_139 : i1 to vector<16xi1>
        %reduce_sum3A_141 = tpu.scan <sum>, %scan3A_87#4 masked %reduce_sum3A_140 : vector<16xf32>, vector<16xi1> -> vector<16xf32>
        %reduce_sum3A_142 = vector.extract %reduce_sum3A_141[15] : f32 from vector<16xf32>
        %reduce_sum3A_143 = arith.constant true
        %reduce_sum3A_144 = vector.broadcast %reduce_sum3A_143 : i1 to vector<16xi1>
        %reduce_sum3A_145 = tpu.scan <sum>, %scan3A_87#5 masked %reduce_sum3A_144 : vector<16xf32>, vector<16xi1> -> vector<16xf32>
        %reduce_sum3A_146 = vector.extract %reduce_sum3A_145[15] : f32 from vector<16xf32>
        %ge3A_147 = arith.constant 0.000000e+00 : f32
        %ge3A_148 = arith.cmpf oge, %reduce_sum3A_142, %ge3A_147 : f32
        %ge3A_149 = arith.constant 0.000000e+00 : f32
        %ge3A_150 = arith.cmpf oge, %select_n3A_133, %ge3A_149 : f32
        %mul3A_151 = arith.mulf %reduce_sum3A_142, %reduce_sum3A_142 : f32
        %mul3A_152 = arith.mulf %mul3A_151, %select_n3A_134 : f32
        %mul3A_153 = arith.mulf %select_n3A_133, %select_n3A_133 : f32
        %mul3A_154 = arith.mulf %mul3A_153, %reduce_sum3A_146 : f32
        %ne3A_155 = arith.xori %ge3A_148, %ge3A_150 : i1
        %gt3A_156 = arith.cmpf ogt, %mul3A_152, %mul3A_154 : f32
        %lt3A_157 = arith.cmpf olt, %mul3A_152, %mul3A_154 : f32
        %select_n3A_158 = arith.select %ge3A_148, %gt3A_156, %lt3A_157 : i1
        %select_n3A_159 = arith.select %ne3A_155, %ge3A_148, %select_n3A_158 : i1
        %select_n3A_160 = arith.select %select_n3A_159, %reduce_sum3A_142, %select_n3A_133 : f32
        %select_n3A_161 = arith.select %select_n3A_159, %reduce_sum3A_146, %select_n3A_134 : f32
        %select_n3A_162 = arith.select %select_n3A_159, %mul3A_35, %select_n3A_135 : i32
        %add3A_163 = arith.constant 2 : i32
        %add3A_164 = arith.addi %mul3A_80, %add3A_163 : i32
        %select_n3A_165 = arith.select %select_n3A_159, %add3A_164, %select_n3A_138 : i32
        %reduce_sum3A_166 = arith.constant true
        %reduce_sum3A_167 = vector.broadcast %reduce_sum3A_166 : i1 to vector<16xi1>
        %reduce_sum3A_168 = tpu.scan <sum>, %scan3A_87#6 masked %reduce_sum3A_167 : vector<16xf32>, vector<16xi1> -> vector<16xf32>
        %reduce_sum3A_169 = vector.extract %reduce_sum3A_168[15] : f32 from vector<16xf32>
        %reduce_sum3A_170 = arith.constant true
        %reduce_sum3A_171 = vector.broadcast %reduce_sum3A_170 : i1 to vector<16xi1>
        %reduce_sum3A_172 = tpu.scan <sum>, %scan3A_87#7 masked %reduce_sum3A_171 : vector<16xf32>, vector<16xi1> -> vector<16xf32>
        %reduce_sum3A_173 = vector.extract %reduce_sum3A_172[15] : f32 from vector<16xf32>
        %ge3A_174 = arith.constant 0.000000e+00 : f32
        %ge3A_175 = arith.cmpf oge, %reduce_sum3A_169, %ge3A_174 : f32
        %ge3A_176 = arith.constant 0.000000e+00 : f32
        %ge3A_177 = arith.cmpf oge, %select_n3A_160, %ge3A_176 : f32
        %mul3A_178 = arith.mulf %reduce_sum3A_169, %reduce_sum3A_169 : f32
        %mul3A_179 = arith.mulf %mul3A_178, %select_n3A_161 : f32
        %mul3A_180 = arith.mulf %select_n3A_160, %select_n3A_160 : f32
        %mul3A_181 = arith.mulf %mul3A_180, %reduce_sum3A_173 : f32
        %ne3A_182 = arith.xori %ge3A_175, %ge3A_177 : i1
        %gt3A_183 = arith.cmpf ogt, %mul3A_179, %mul3A_181 : f32
        %lt3A_184 = arith.cmpf olt, %mul3A_179, %mul3A_181 : f32
        %select_n3A_185 = arith.select %ge3A_175, %gt3A_183, %lt3A_184 : i1
        %select_n3A_186 = arith.select %ne3A_182, %ge3A_175, %select_n3A_185 : i1
        %select_n3A_187 = arith.select %select_n3A_186, %reduce_sum3A_169, %select_n3A_160 : f32
        %select_n3A_188 = arith.select %select_n3A_186, %reduce_sum3A_173, %select_n3A_161 : f32
        %select_n3A_189 = arith.select %select_n3A_186, %mul3A_35, %select_n3A_162 : i32
        %add3A_190 = arith.constant 3 : i32
        %add3A_191 = arith.addi %mul3A_80, %add3A_190 : i32
        %select_n3A_192 = arith.select %select_n3A_186, %add3A_191, %select_n3A_165 : i32
        scf.yield %select_n3A_187, %select_n3A_188, %select_n3A_189, %select_n3A_192 : f32, f32, i32, i32
      }
      %scan3A_55 = arith.constant 10 : i32
      %add3A_56 = arith.constant 2 : i32
      %add3A_57 = arith.addi %mul3A_35, %add3A_56 : i32
      %lt3A = arith.constant 32 : i32
      %lt3A_58 = arith.cmpi slt, %add3A_57, %lt3A : i32
      %convert_element_type3A = arith.extui %lt3A_58 : i1 to i32
      %cond3A = arith.constant 0 : i32
      %cond3A_59 = arith.cmpi ne, %convert_element_type3A, %cond3A : i32
      scf.if %cond3A_59 {
        %add3A_74 = arith.constant 2 : i32
        %add3A_75 = arith.addi %mul3A_35, %add3A_74 : i32
        %mul3A_76 = arith.constant 40 : i32
        %mul3A_77 = arith.muli %add3A_75, %mul3A_76 : i32
        %add3A_78 = arith.addi %mul3A_2, %mul3A_77 : i32
        %dma_start3A_79 = arith.constant 0 : i32
        %dma_start3A_80 = tpu.memref_slice %arg2[%add3A_78, %dma_start3A_79] : memref<100000x1024xf32, #tpu.memory_space<hbm>> -> memref<40x1024xf32, #tpu.memory_space<hbm>>
        %dma_start3A_81 = arith.constant 0 : i32
        %dma_start3A_82 = tpu.memref_slice %arg2[%add3A_78, %dma_start3A_81] : memref<100000x1024xf32, #tpu.memory_space<hbm>> -> memref<40x1024xf32, #tpu.memory_space<hbm>>
        tpu.enqueue_dma source(%dma_start3A_82 : memref<40x1024xf32, #tpu.memory_space<hbm>>) target(%arg6 : memref<40x1024xf32, #tpu.memory_space<vmem>>) target_semaphore(%arg9 : memref<!tpu.dma_semaphore, #tpu.memory_space<semaphore_mem>>)
      } else {
      }
      %add3A_60 = arith.constant 0 : i32
      %add3A_61 = arith.addi %mul3A_2, %add3A_60 : i32
      %dma_wait3A_62 = arith.constant 0 : i32
      %dma_wait3A_63 = tpu.memref_slice %arg2[%add3A_61, %dma_wait3A_62] : memref<100000x1024xf32, #tpu.memory_space<hbm>> -> memref<40x1024xf32, #tpu.memory_space<hbm>>
      %dma_wait3A_64 = arith.constant 0 : i32
      %dma_wait3A_65 = tpu.memref_slice %arg2[%add3A_61, %dma_wait3A_64] : memref<100000x1024xf32, #tpu.memory_space<hbm>> -> memref<40x1024xf32, #tpu.memory_space<hbm>>
      tpu.wait_dma2 semaphore(%arg10 : memref<!tpu.dma_semaphore, #tpu.memory_space<semaphore_mem>>) src(%dma_wait3A_65 : memref<40x1024xf32, #tpu.memory_space<hbm>>) dst(%arg7 : memref<40x1024xf32, #tpu.memory_space<vmem>>)
      %add3A_66 = arith.constant 1 : i32
      %add3A_67 = arith.addi %mul3A_35, %add3A_66 : i32
      %scan3A_68 = arith.constant 0 : i32
      %scan3A_69 = arith.constant 10 : i32
      %scan3A_70 = arith.addi %scan3A_68, %scan3A_69 : i32
      %scan3A_71 = arith.constant 1 : i32
      %scan3A_72:4 = scf.for %scan3A_74 = %scan3A_68 to %scan3A_70 step %scan3A_71 iter_args(%scan3A_75 = %scan3A_54#0, %scan3A_76 = %scan3A_54#1, %scan3A_77 = %scan3A_54#2, %scan3A_78 = %scan3A_54#3) -> (f32, f32, i32, i32)  : i32 {
        %mul3A_79 = arith.constant 4 : i32
        %mul3A_80 = arith.muli %scan3A_74, %mul3A_79 : i32
        %broadcast_in_dim3A_81 = arith.constant 0.000000e+00 : f32
        %broadcast_in_dim3A_82 = vector.broadcast %broadcast_in_dim3A_81 : f32 to vector<16xf32>
        %scan3A_83 = arith.constant 0 : i32
        %scan3A_84 = arith.constant 8 : i32
        %scan3A_85 = arith.addi %scan3A_83, %scan3A_84 : i32
        %scan3A_86 = arith.constant 1 : i32
        %scan3A_87:8 = scf.for %scan3A_193 = %scan3A_83 to %scan3A_85 step %scan3A_86 iter_args(%scan3A_194 = %broadcast_in_dim3A_82, %scan3A_195 = %broadcast_in_dim3A_82, %scan3A_196 = %broadcast_in_dim3A_82, %scan3A_197 = %broadcast_in_dim3A_82, %scan3A_198 = %broadcast_in_dim3A_82, %scan3A_199 = %broadcast_in_dim3A_82, %scan3A_200 = %broadcast_in_dim3A_82, %scan3A_201 = %broadcast_in_dim3A_82) -> (vector<16xf32>, vector<16xf32>, vector<16xf32>, vector<16xf32>, vector<16xf32>, vector<16xf32>, vector<16xf32>, vector<16xf32>)  : i32 {
          %mul3A_202 = arith.constant 8 : i32
          %mul3A_203 = arith.muli %scan3A_193, %mul3A_202 : i32
          %add3A_204 = arith.constant 0 : i32
          %add3A_205 = arith.addi %mul3A_203, %add3A_204 : i32
          %mul3A_206 = arith.constant 16 : i32
          %mul3A_207 = arith.muli %add3A_205, %mul3A_206 : i32
          %get3A = arith.index_cast %mul3A_207 : i32 to index
          %get3A_208 = tpu.vector_load %arg5[%get3A] {strides = array<i32>} : memref<1024xf32, #tpu.memory_space<vmem>>, vector<16xf32>,
          %add3A_209 = arith.constant 0 : i32
          %add3A_210 = arith.addi %mul3A_80, %add3A_209 : i32
          %mul3A_211 = arith.constant 16 : i32
          %mul3A_212 = arith.muli %add3A_205, %mul3A_211 : i32
          %get3A_213 = arith.index_cast %add3A_210 : i32 to index
          %get3A_214 = arith.index_cast %mul3A_212 : i32 to index
          %get3A_215 = tpu.vector_load %arg7[%get3A_213, %get3A_214] {strides = array<i32>} : memref<40x1024xf32, #tpu.memory_space<vmem>>, vector<16xf32>,
          %mul3A_216 = arith.mulf %get3A_215, %get3A_208 : vector<16xf32>
          %add3A_217 = arith.addf %scan3A_194, %mul3A_216 : vector<16xf32>
          %mul3A_218 = arith.mulf %get3A_215, %get3A_215 : vector<16xf32>
          %add3A_219 = arith.addf %scan3A_195, %mul3A_218 : vector<16xf32>
          %add3A_220 = arith.constant 1 : i32
          %add3A_221 = arith.addi %mul3A_80, %add3A_220 : i32
          %mul3A_222 = arith.constant 16 : i32
          %mul3A_223 = arith.muli %add3A_205, %mul3A_222 : i32
          %get3A_224 = arith.index_cast %add3A_221 : i32 to index
          %get3A_225 = arith.index_cast %mul3A_223 : i32 to index
          %get3A_226 = tpu.vector_load %arg7[%get3A_224, %get3A_225] {strides = array<i32>} : memref<40x1024xf32, #tpu.memory_space<vmem>>, vector<16xf32>,
          %mul3A_227 = arith.mulf %get3A_226, %get3A_208 : vector<16xf32>
          %add3A_228 = arith.addf %scan3A_196, %mul3A_227 : vector<16xf32>
          %mul3A_229 = arith.mulf %get3A_226, %get3A_226 : vector<16xf32>
          %add3A_230 = arith.addf %scan3A_197, %mul3A_229 : vector<16xf32>
          %add3A_231 = arith.constant 2 : i32
          %add3A_232 = arith.addi %mul3A_80, %add3A_231 : i32
          %mul3A_233 = arith.constant 16 : i32
          %mul3A_234 = arith.muli %add3A_205, %mul3A_233 : i32
          %get3A_235 = arith.index_cast %add3A_232 : i32 to index
          %get3A_236 = arith.index_cast %mul3A_234 : i32 to index
          %get3A_237 = tpu.vector_load %arg7[%get3A_235, %get3A_236] {strides = array<i32>} : memref<40x1024xf32, #tpu.memory_space<vmem>>, vector<16xf32>,
          %mul3A_238 = arith.mulf %get3A_237, %get3A_208 : vector<16xf32>
          %add3A_239 = arith.addf %scan3A_198, %mul3A_238 : vector<16xf32>
          %mul3A_240 = arith.mulf %get3A_237, %get3A_237 : vector<16xf32>
          %add3A_241 = arith.addf %scan3A_199, %mul3A_240 : vector<16xf32>
          %add3A_242 = arith.constant 3 : i32
          %add3A_243 = arith.addi %mul3A_80, %add3A_242 : i32
          %mul3A_244 = arith.constant 16 : i32
          %mul3A_245 = arith.muli %add3A_205, %mul3A_244 : i32
          %get3A_246 = arith.index_cast %add3A_243 : i32 to index
          %get3A_247 = arith.index_cast %mul3A_245 : i32 to index
          %get3A_248 = tpu.vector_load %arg7[%get3A_246, %get3A_247] {strides = array<i32>} : memref<40x1024xf32, #tpu.memory_space<vmem>>, vector<16xf32>,
          %mul3A_249 = arith.mulf %get3A_248, %get3A_208 : vector<16xf32>
          %add3A_250 = arith.addf %scan3A_200, %mul3A_249 : vector<16xf32>
          %mul3A_251 = arith.mulf %get3A_248, %get3A_248 : vector<16xf32>
          %add3A_252 = arith.addf %scan3A_201, %mul3A_251 : vector<16xf32>
          %mul3A_253 = arith.constant 8 : i32
          %mul3A_254 = arith.muli %scan3A_193, %mul3A_253 : i32
          %add3A_255 = arith.constant 1 : i32
          %add3A_256 = arith.addi %mul3A_254, %add3A_255 : i32
          %mul3A_257 = arith.constant 16 : i32
          %mul3A_258 = arith.muli %add3A_256, %mul3A_257 : i32
          %get3A_259 = arith.index_cast %mul3A_258 : i32 to index
          %get3A_260 = tpu.vector_load %arg5[%get3A_259] {strides = array<i32>} : memref<1024xf32, #tpu.memory_space<vmem>>, vector<16xf32>,
          %add3A_261 = arith.constant 0 : i32
          %add3A_262 = arith.addi %mul3A_80, %add3A_261 : i32
          %mul3A_263 = arith.constant 16 : i32
          %mul3A_264 = arith.muli %add3A_256, %mul3A_263 : i32
          %get3A_265 = arith.index_cast %add3A_262 : i32 to index
          %get3A_266 = arith.index_cast %mul3A_264 : i32 to index
          %get3A_267 = tpu.vector_load %arg7[%get3A_265, %get3A_266] {strides = array<i32>} : memref<40x1024xf32, #tpu.memory_space<vmem>>, vector<16xf32>,
          %mul3A_268 = arith.mulf %get3A_267, %get3A_260 : vector<16xf32>
          %add3A_269 = arith.addf %add3A_217, %mul3A_268 : vector<16xf32>
          %mul3A_270 = arith.mulf %get3A_267, %get3A_267 : vector<16xf32>
          %add3A_271 = arith.addf %add3A_219, %mul3A_270 : vector<16xf32>
          %add3A_272 = arith.constant 1 : i32
          %add3A_273 = arith.addi %mul3A_80, %add3A_272 : i32
          %mul3A_274 = arith.constant 16 : i32
          %mul3A_275 = arith.muli %add3A_256, %mul3A_274 : i32
          %get3A_276 = arith.index_cast %add3A_273 : i32 to index
          %get3A_277 = arith.index_cast %mul3A_275 : i32 to index
          %get3A_278 = tpu.vector_load %arg7[%get3A_276, %get3A_277] {strides = array<i32>} : memref<40x1024xf32, #tpu.memory_space<vmem>>, vector<16xf32>,
          %mul3A_279 = arith.mulf %get3A_278, %get3A_260 : vector<16xf32>
          %add3A_280 = arith.addf %add3A_228, %mul3A_279 : vector<16xf32>
          %mul3A_281 = arith.mulf %get3A_278, %get3A_278 : vector<16xf32>
          %add3A_282 = arith.addf %add3A_230, %mul3A_281 : vector<16xf32>
          %add3A_283 = arith.constant 2 : i32
          %add3A_284 = arith.addi %mul3A_80, %add3A_283 : i32
          %mul3A_285 = arith.constant 16 : i32
          %mul3A_286 = arith.muli %add3A_256, %mul3A_285 : i32
          %get3A_287 = arith.index_cast %add3A_284 : i32 to index
          %get3A_288 = arith.index_cast %mul3A_286 : i32 to index
          %get3A_289 = tpu.vector_load %arg7[%get3A_287, %get3A_288] {strides = array<i32>} : memref<40x1024xf32, #tpu.memory_space<vmem>>, vector<16xf32>,
          %mul3A_290 = arith.mulf %get3A_289, %get3A_260 : vector<16xf32>
          %add3A_291 = arith.addf %add3A_239, %mul3A_290 : vector<16xf32>
          %mul3A_292 = arith.mulf %get3A_289, %get3A_289 : vector<16xf32>
          %add3A_293 = arith.addf %add3A_241, %mul3A_292 : vector<16xf32>
          %add3A_294 = arith.constant 3 : i32
          %add3A_295 = arith.addi %mul3A_80, %add3A_294 : i32
          %mul3A_296 = arith.constant 16 : i32
          %mul3A_297 = arith.muli %add3A_256, %mul3A_296 : i32
          %get3A_298 = arith.index_cast %add3A_295 : i32 to index
          %get3A_299 = arith.index_cast %mul3A_297 : i32 to index
          %get3A_300 = tpu.vector_load %arg7[%get3A_298, %get3A_299] {strides = array<i32>} : memref<40x1024xf32, #tpu.memory_space<vmem>>, vector<16xf32>,
          %mul3A_301 = arith.mulf %get3A_300, %get3A_260 : vector<16xf32>
          %add3A_302 = arith.addf %add3A_250, %mul3A_301 : vector<16xf32>
          %mul3A_303 = arith.mulf %get3A_300, %get3A_300 : vector<16xf32>
          %add3A_304 = arith.addf %add3A_252, %mul3A_303 : vector<16xf32>
          %mul3A_305 = arith.constant 8 : i32
          %mul3A_306 = arith.muli %scan3A_193, %mul3A_305 : i32
          %add3A_307 = arith.constant 2 : i32
          %add3A_308 = arith.addi %mul3A_306, %add3A_307 : i32
          %mul3A_309 = arith.constant 16 : i32
          %mul3A_310 = arith.muli %add3A_308, %mul3A_309 : i32
          %get3A_311 = arith.index_cast %mul3A_310 : i32 to index
          %get3A_312 = tpu.vector_load %arg5[%get3A_311] {strides = array<i32>} : memref<1024xf32, #tpu.memory_space<vmem>>, vector<16xf32>,
          %add3A_313 = arith.constant 0 : i32
          %add3A_314 = arith.addi %mul3A_80, %add3A_313 : i32
          %mul3A_315 = arith.constant 16 : i32
          %mul3A_316 = arith.muli %add3A_308, %mul3A_315 : i32
          %get3A_317 = arith.index_cast %add3A_314 : i32 to index
          %get3A_318 = arith.index_cast %mul3A_316 : i32 to index
          %get3A_319 = tpu.vector_load %arg7[%get3A_317, %get3A_318] {strides = array<i32>} : memref<40x1024xf32, #tpu.memory_space<vmem>>, vector<16xf32>,
          %mul3A_320 = arith.mulf %get3A_319, %get3A_312 : vector<16xf32>
          %add3A_321 = arith.addf %add3A_269, %mul3A_320 : vector<16xf32>
          %mul3A_322 = arith.mulf %get3A_319, %get3A_319 : vector<16xf32>
          %add3A_323 = arith.addf %add3A_271, %mul3A_322 : vector<16xf32>
          %add3A_324 = arith.constant 1 : i32
          %add3A_325 = arith.addi %mul3A_80, %add3A_324 : i32
          %mul3A_326 = arith.constant 16 : i32
          %mul3A_327 = arith.muli %add3A_308, %mul3A_326 : i32
          %get3A_328 = arith.index_cast %add3A_325 : i32 to index
          %get3A_329 = arith.index_cast %mul3A_327 : i32 to index
          %get3A_330 = tpu.vector_load %arg7[%get3A_328, %get3A_329] {strides = array<i32>} : memref<40x1024xf32, #tpu.memory_space<vmem>>, vector<16xf32>,
          %mul3A_331 = arith.mulf %get3A_330, %get3A_312 : vector<16xf32>
          %add3A_332 = arith.addf %add3A_280, %mul3A_331 : vector<16xf32>
          %mul3A_333 = arith.mulf %get3A_330, %get3A_330 : vector<16xf32>
          %add3A_334 = arith.addf %add3A_282, %mul3A_333 : vector<16xf32>
          %add3A_335 = arith.constant 2 : i32
          %add3A_336 = arith.addi %mul3A_80, %add3A_335 : i32
          %mul3A_337 = arith.constant 16 : i32
          %mul3A_338 = arith.muli %add3A_308, %mul3A_337 : i32
          %get3A_339 = arith.index_cast %add3A_336 : i32 to index
          %get3A_340 = arith.index_cast %mul3A_338 : i32 to index
          %get3A_341 = tpu.vector_load %arg7[%get3A_339, %get3A_340] {strides = array<i32>} : memref<40x1024xf32, #tpu.memory_space<vmem>>, vector<16xf32>,
          %mul3A_342 = arith.mulf %get3A_341, %get3A_312 : vector<16xf32>
          %add3A_343 = arith.addf %add3A_291, %mul3A_342 : vector<16xf32>
          %mul3A_344 = arith.mulf %get3A_341, %get3A_341 : vector<16xf32>
          %add3A_345 = arith.addf %add3A_293, %mul3A_344 : vector<16xf32>
          %add3A_346 = arith.constant 3 : i32
          %add3A_347 = arith.addi %mul3A_80, %add3A_346 : i32
          %mul3A_348 = arith.constant 16 : i32
          %mul3A_349 = arith.muli %add3A_308, %mul3A_348 : i32
          %get3A_350 = arith.index_cast %add3A_347 : i32 to index
          %get3A_351 = arith.index_cast %mul3A_349 : i32 to index
          %get3A_352 = tpu.vector_load %arg7[%get3A_350, %get3A_351] {strides = array<i32>} : memref<40x1024xf32, #tpu.memory_space<vmem>>, vector<16xf32>,
          %mul3A_353 = arith.mulf %get3A_352, %get3A_312 : vector<16xf32>
          %add3A_354 = arith.addf %add3A_302, %mul3A_353 : vector<16xf32>
          %mul3A_355 = arith.mulf %get3A_352, %get3A_352 : vector<16xf32>
          %add3A_356 = arith.addf %add3A_304, %mul3A_355 : vector<16xf32>
          %mul3A_357 = arith.constant 8 : i32
          %mul3A_358 = arith.muli %scan3A_193, %mul3A_357 : i32
          %add3A_359 = arith.constant 3 : i32
          %add3A_360 = arith.addi %mul3A_358, %add3A_359 : i32
          %mul3A_361 = arith.constant 16 : i32
          %mul3A_362 = arith.muli %add3A_360, %mul3A_361 : i32
          %get3A_363 = arith.index_cast %mul3A_362 : i32 to index
          %get3A_364 = tpu.vector_load %arg5[%get3A_363] {strides = array<i32>} : memref<1024xf32, #tpu.memory_space<vmem>>, vector<16xf32>,
          %add3A_365 = arith.constant 0 : i32
          %add3A_366 = arith.addi %mul3A_80, %add3A_365 : i32
          %mul3A_367 = arith.constant 16 : i32
          %mul3A_368 = arith.muli %add3A_360, %mul3A_367 : i32
          %get3A_369 = arith.index_cast %add3A_366 : i32 to index
          %get3A_370 = arith.index_cast %mul3A_368 : i32 to index
          %get3A_371 = tpu.vector_load %arg7[%get3A_369, %get3A_370] {strides = array<i32>} : memref<40x1024xf32, #tpu.memory_space<vmem>>, vector<16xf32>,
          %mul3A_372 = arith.mulf %get3A_371, %get3A_364 : vector<16xf32>
          %add3A_373 = arith.addf %add3A_321, %mul3A_372 : vector<16xf32>
          %mul3A_374 = arith.mulf %get3A_371, %get3A_371 : vector<16xf32>
          %add3A_375 = arith.addf %add3A_323, %mul3A_374 : vector<16xf32>
          %add3A_376 = arith.constant 1 : i32
          %add3A_377 = arith.addi %mul3A_80, %add3A_376 : i32
          %mul3A_378 = arith.constant 16 : i32
          %mul3A_379 = arith.muli %add3A_360, %mul3A_378 : i32
          %get3A_380 = arith.index_cast %add3A_377 : i32 to index
          %get3A_381 = arith.index_cast %mul3A_379 : i32 to index
          %get3A_382 = tpu.vector_load %arg7[%get3A_380, %get3A_381] {strides = array<i32>} : memref<40x1024xf32, #tpu.memory_space<vmem>>, vector<16xf32>,
          %mul3A_383 = arith.mulf %get3A_382, %get3A_364 : vector<16xf32>
          %add3A_384 = arith.addf %add3A_332, %mul3A_383 : vector<16xf32>
          %mul3A_385 = arith.mulf %get3A_382, %get3A_382 : vector<16xf32>
          %add3A_386 = arith.addf %add3A_334, %mul3A_385 : vector<16xf32>
          %add3A_387 = arith.constant 2 : i32
          %add3A_388 = arith.addi %mul3A_80, %add3A_387 : i32
          %mul3A_389 = arith.constant 16 : i32
          %mul3A_390 = arith.muli %add3A_360, %mul3A_389 : i32
          %get3A_391 = arith.index_cast %add3A_388 : i32 to index
          %get3A_392 = arith.index_cast %mul3A_390 : i32 to index
          %get3A_393 = tpu.vector_load %arg7[%get3A_391, %get3A_392] {strides = array<i32>} : memref<40x1024xf32, #tpu.memory_space<vmem>>, vector<16xf32>,
          %mul3A_394 = arith.mulf %get3A_393, %get3A_364 : vector<16xf32>
          %add3A_395 = arith.addf %add3A_343, %mul3A_394 : vector<16xf32>
          %mul3A_396 = arith.mulf %get3A_393, %get3A_393 : vector<16xf32>
          %add3A_397 = arith.addf %add3A_345, %mul3A_396 : vector<16xf32>
          %add3A_398 = arith.constant 3 : i32
          %add3A_399 = arith.addi %mul3A_80, %add3A_398 : i32
          %mul3A_400 = arith.constant 16 : i32
          %mul3A_401 = arith.muli %add3A_360, %mul3A_400 : i32
          %get3A_402 = arith.index_cast %add3A_399 : i32 to index
          %get3A_403 = arith.index_cast %mul3A_401 : i32 to index
          %get3A_404 = tpu.vector_load %arg7[%get3A_402, %get3A_403] {strides = array<i32>} : memref<40x1024xf32, #tpu.memory_space<vmem>>, vector<16xf32>,
          %mul3A_405 = arith.mulf %get3A_404, %get3A_364 : vector<16xf32>
          %add3A_406 = arith.addf %add3A_354, %mul3A_405 : vector<16xf32>
          %mul3A_407 = arith.mulf %get3A_404, %get3A_404 : vector<16xf32>
          %add3A_408 = arith.addf %add3A_356, %mul3A_407 : vector<16xf32>
          %mul3A_409 = arith.constant 8 : i32
          %mul3A_410 = arith.muli %scan3A_193, %mul3A_409 : i32
          %add3A_411 = arith.constant 4 : i32
          %add3A_412 = arith.addi %mul3A_410, %add3A_411 : i32
          %mul3A_413 = arith.constant 16 : i32
          %mul3A_414 = arith.muli %add3A_412, %mul3A_413 : i32
          %get3A_415 = arith.index_cast %mul3A_414 : i32 to index
          %get3A_416 = tpu.vector_load %arg5[%get3A_415] {strides = array<i32>} : memref<1024xf32, #tpu.memory_space<vmem>>, vector<16xf32>,
          %add3A_417 = arith.constant 0 : i32
          %add3A_418 = arith.addi %mul3A_80, %add3A_417 : i32
          %mul3A_419 = arith.constant 16 : i32
          %mul3A_420 = arith.muli %add3A_412, %mul3A_419 : i32
          %get3A_421 = arith.index_cast %add3A_418 : i32 to index
          %get3A_422 = arith.index_cast %mul3A_420 : i32 to index
          %get3A_423 = tpu.vector_load %arg7[%get3A_421, %get3A_422] {strides = array<i32>} : memref<40x1024xf32, #tpu.memory_space<vmem>>, vector<16xf32>,
          %mul3A_424 = arith.mulf %get3A_423, %get3A_416 : vector<16xf32>
          %add3A_425 = arith.addf %add3A_373, %mul3A_424 : vector<16xf32>
          %mul3A_426 = arith.mulf %get3A_423, %get3A_423 : vector<16xf32>
          %add3A_427 = arith.addf %add3A_375, %mul3A_426 : vector<16xf32>
          %add3A_428 = arith.constant 1 : i32
          %add3A_429 = arith.addi %mul3A_80, %add3A_428 : i32
          %mul3A_430 = arith.constant 16 : i32
          %mul3A_431 = arith.muli %add3A_412, %mul3A_430 : i32
          %get3A_432 = arith.index_cast %add3A_429 : i32 to index
          %get3A_433 = arith.index_cast %mul3A_431 : i32 to index
          %get3A_434 = tpu.vector_load %arg7[%get3A_432, %get3A_433] {strides = array<i32>} : memref<40x1024xf32, #tpu.memory_space<vmem>>, vector<16xf32>,
          %mul3A_435 = arith.mulf %get3A_434, %get3A_416 : vector<16xf32>
          %add3A_436 = arith.addf %add3A_384, %mul3A_435 : vector<16xf32>
          %mul3A_437 = arith.mulf %get3A_434, %get3A_434 : vector<16xf32>
          %add3A_438 = arith.addf %add3A_386, %mul3A_437 : vector<16xf32>
          %add3A_439 = arith.constant 2 : i32
          %add3A_440 = arith.addi %mul3A_80, %add3A_439 : i32
          %mul3A_441 = arith.constant 16 : i32
          %mul3A_442 = arith.muli %add3A_412, %mul3A_441 : i32
          %get3A_443 = arith.index_cast %add3A_440 : i32 to index
          %get3A_444 = arith.index_cast %mul3A_442 : i32 to index
          %get3A_445 = tpu.vector_load %arg7[%get3A_443, %get3A_444] {strides = array<i32>} : memref<40x1024xf32, #tpu.memory_space<vmem>>, vector<16xf32>,
          %mul3A_446 = arith.mulf %get3A_445, %get3A_416 : vector<16xf32>
          %add3A_447 = arith.addf %add3A_395, %mul3A_446 : vector<16xf32>
          %mul3A_448 = arith.mulf %get3A_445, %get3A_445 : vector<16xf32>
          %add3A_449 = arith.addf %add3A_397, %mul3A_448 : vector<16xf32>
          %add3A_450 = arith.constant 3 : i32
          %add3A_451 = arith.addi %mul3A_80, %add3A_450 : i32
          %mul3A_452 = arith.constant 16 : i32
          %mul3A_453 = arith.muli %add3A_412, %mul3A_452 : i32
          %get3A_454 = arith.index_cast %add3A_451 : i32 to index
          %get3A_455 = arith.index_cast %mul3A_453 : i32 to index
          %get3A_456 = tpu.vector_load %arg7[%get3A_454, %get3A_455] {strides = array<i32>} : memref<40x1024xf32, #tpu.memory_space<vmem>>, vector<16xf32>,
          %mul3A_457 = arith.mulf %get3A_456, %get3A_416 : vector<16xf32>
          %add3A_458 = arith.addf %add3A_406, %mul3A_457 : vector<16xf32>
          %mul3A_459 = arith.mulf %get3A_456, %get3A_456 : vector<16xf32>
          %add3A_460 = arith.addf %add3A_408, %mul3A_459 : vector<16xf32>
          %mul3A_461 = arith.constant 8 : i32
          %mul3A_462 = arith.muli %scan3A_193, %mul3A_461 : i32
          %add3A_463 = arith.constant 5 : i32
          %add3A_464 = arith.addi %mul3A_462, %add3A_463 : i32
          %mul3A_465 = arith.constant 16 : i32
          %mul3A_466 = arith.muli %add3A_464, %mul3A_465 : i32
          %get3A_467 = arith.index_cast %mul3A_466 : i32 to index
          %get3A_468 = tpu.vector_load %arg5[%get3A_467] {strides = array<i32>} : memref<1024xf32, #tpu.memory_space<vmem>>, vector<16xf32>,
          %add3A_469 = arith.constant 0 : i32
          %add3A_470 = arith.addi %mul3A_80, %add3A_469 : i32
          %mul3A_471 = arith.constant 16 : i32
          %mul3A_472 = arith.muli %add3A_464, %mul3A_471 : i32
          %get3A_473 = arith.index_cast %add3A_470 : i32 to index
          %get3A_474 = arith.index_cast %mul3A_472 : i32 to index
          %get3A_475 = tpu.vector_load %arg7[%get3A_473, %get3A_474] {strides = array<i32>} : memref<40x1024xf32, #tpu.memory_space<vmem>>, vector<16xf32>,
          %mul3A_476 = arith.mulf %get3A_475, %get3A_468 : vector<16xf32>
          %add3A_477 = arith.addf %add3A_425, %mul3A_476 : vector<16xf32>
          %mul3A_478 = arith.mulf %get3A_475, %get3A_475 : vector<16xf32>
          %add3A_479 = arith.addf %add3A_427, %mul3A_478 : vector<16xf32>
          %add3A_480 = arith.constant 1 : i32
          %add3A_481 = arith.addi %mul3A_80, %add3A_480 : i32
          %mul3A_482 = arith.constant 16 : i32
          %mul3A_483 = arith.muli %add3A_464, %mul3A_482 : i32
          %get3A_484 = arith.index_cast %add3A_481 : i32 to index
          %get3A_485 = arith.index_cast %mul3A_483 : i32 to index
          %get3A_486 = tpu.vector_load %arg7[%get3A_484, %get3A_485] {strides = array<i32>} : memref<40x1024xf32, #tpu.memory_space<vmem>>, vector<16xf32>,
          %mul3A_487 = arith.mulf %get3A_486, %get3A_468 : vector<16xf32>
          %add3A_488 = arith.addf %add3A_436, %mul3A_487 : vector<16xf32>
          %mul3A_489 = arith.mulf %get3A_486, %get3A_486 : vector<16xf32>
          %add3A_490 = arith.addf %add3A_438, %mul3A_489 : vector<16xf32>
          %add3A_491 = arith.constant 2 : i32
          %add3A_492 = arith.addi %mul3A_80, %add3A_491 : i32
          %mul3A_493 = arith.constant 16 : i32
          %mul3A_494 = arith.muli %add3A_464, %mul3A_493 : i32
          %get3A_495 = arith.index_cast %add3A_492 : i32 to index
          %get3A_496 = arith.index_cast %mul3A_494 : i32 to index
          %get3A_497 = tpu.vector_load %arg7[%get3A_495, %get3A_496] {strides = array<i32>} : memref<40x1024xf32, #tpu.memory_space<vmem>>, vector<16xf32>,
          %mul3A_498 = arith.mulf %get3A_497, %get3A_468 : vector<16xf32>
          %add3A_499 = arith.addf %add3A_447, %mul3A_498 : vector<16xf32>
          %mul3A_500 = arith.mulf %get3A_497, %get3A_497 : vector<16xf32>
          %add3A_501 = arith.addf %add3A_449, %mul3A_500 : vector<16xf32>
          %add3A_502 = arith.constant 3 : i32
          %add3A_503 = arith.addi %mul3A_80, %add3A_502 : i32
          %mul3A_504 = arith.constant 16 : i32
          %mul3A_505 = arith.muli %add3A_464, %mul3A_504 : i32
          %get3A_506 = arith.index_cast %add3A_503 : i32 to index
          %get3A_507 = arith.index_cast %mul3A_505 : i32 to index
          %get3A_508 = tpu.vector_load %arg7[%get3A_506, %get3A_507] {strides = array<i32>} : memref<40x1024xf32, #tpu.memory_space<vmem>>, vector<16xf32>,
          %mul3A_509 = arith.mulf %get3A_508, %get3A_468 : vector<16xf32>
          %add3A_510 = arith.addf %add3A_458, %mul3A_509 : vector<16xf32>
          %mul3A_511 = arith.mulf %get3A_508, %get3A_508 : vector<16xf32>
          %add3A_512 = arith.addf %add3A_460, %mul3A_511 : vector<16xf32>
          %mul3A_513 = arith.constant 8 : i32
          %mul3A_514 = arith.muli %scan3A_193, %mul3A_513 : i32
          %add3A_515 = arith.constant 6 : i32
          %add3A_516 = arith.addi %mul3A_514, %add3A_515 : i32
          %mul3A_517 = arith.constant 16 : i32
          %mul3A_518 = arith.muli %add3A_516, %mul3A_517 : i32
          %get3A_519 = arith.index_cast %mul3A_518 : i32 to index
          %get3A_520 = tpu.vector_load %arg5[%get3A_519] {strides = array<i32>} : memref<1024xf32, #tpu.memory_space<vmem>>, vector<16xf32>,
          %add3A_521 = arith.constant 0 : i32
          %add3A_522 = arith.addi %mul3A_80, %add3A_521 : i32
          %mul3A_523 = arith.constant 16 : i32
          %mul3A_524 = arith.muli %add3A_516, %mul3A_523 : i32
          %get3A_525 = arith.index_cast %add3A_522 : i32 to index
          %get3A_526 = arith.index_cast %mul3A_524 : i32 to index
          %get3A_527 = tpu.vector_load %arg7[%get3A_525, %get3A_526] {strides = array<i32>} : memref<40x1024xf32, #tpu.memory_space<vmem>>, vector<16xf32>,
          %mul3A_528 = arith.mulf %get3A_527, %get3A_520 : vector<16xf32>
          %add3A_529 = arith.addf %add3A_477, %mul3A_528 : vector<16xf32>
          %mul3A_530 = arith.mulf %get3A_527, %get3A_527 : vector<16xf32>
          %add3A_531 = arith.addf %add3A_479, %mul3A_530 : vector<16xf32>
          %add3A_532 = arith.constant 1 : i32
          %add3A_533 = arith.addi %mul3A_80, %add3A_532 : i32
          %mul3A_534 = arith.constant 16 : i32
          %mul3A_535 = arith.muli %add3A_516, %mul3A_534 : i32
          %get3A_536 = arith.index_cast %add3A_533 : i32 to index
          %get3A_537 = arith.index_cast %mul3A_535 : i32 to index
          %get3A_538 = tpu.vector_load %arg7[%get3A_536, %get3A_537] {strides = array<i32>} : memref<40x1024xf32, #tpu.memory_space<vmem>>, vector<16xf32>,
          %mul3A_539 = arith.mulf %get3A_538, %get3A_520 : vector<16xf32>
          %add3A_540 = arith.addf %add3A_488, %mul3A_539 : vector<16xf32>
          %mul3A_541 = arith.mulf %get3A_538, %get3A_538 : vector<16xf32>
          %add3A_542 = arith.addf %add3A_490, %mul3A_541 : vector<16xf32>
          %add3A_543 = arith.constant 2 : i32
          %add3A_544 = arith.addi %mul3A_80, %add3A_543 : i32
          %mul3A_545 = arith.constant 16 : i32
          %mul3A_546 = arith.muli %add3A_516, %mul3A_545 : i32
          %get3A_547 = arith.index_cast %add3A_544 : i32 to index
          %get3A_548 = arith.index_cast %mul3A_546 : i32 to index
          %get3A_549 = tpu.vector_load %arg7[%get3A_547, %get3A_548] {strides = array<i32>} : memref<40x1024xf32, #tpu.memory_space<vmem>>, vector<16xf32>,
          %mul3A_550 = arith.mulf %get3A_549, %get3A_520 : vector<16xf32>
          %add3A_551 = arith.addf %add3A_499, %mul3A_550 : vector<16xf32>
          %mul3A_552 = arith.mulf %get3A_549, %get3A_549 : vector<16xf32>
          %add3A_553 = arith.addf %add3A_501, %mul3A_552 : vector<16xf32>
          %add3A_554 = arith.constant 3 : i32
          %add3A_555 = arith.addi %mul3A_80, %add3A_554 : i32
          %mul3A_556 = arith.constant 16 : i32
          %mul3A_557 = arith.muli %add3A_516, %mul3A_556 : i32
          %get3A_558 = arith.index_cast %add3A_555 : i32 to index
          %get3A_559 = arith.index_cast %mul3A_557 : i32 to index
          %get3A_560 = tpu.vector_load %arg7[%get3A_558, %get3A_559] {strides = array<i32>} : memref<40x1024xf32, #tpu.memory_space<vmem>>, vector<16xf32>,
          %mul3A_561 = arith.mulf %get3A_560, %get3A_520 : vector<16xf32>
          %add3A_562 = arith.addf %add3A_510, %mul3A_561 : vector<16xf32>
          %mul3A_563 = arith.mulf %get3A_560, %get3A_560 : vector<16xf32>
          %add3A_564 = arith.addf %add3A_512, %mul3A_563 : vector<16xf32>
          %mul3A_565 = arith.constant 8 : i32
          %mul3A_566 = arith.muli %scan3A_193, %mul3A_565 : i32
          %add3A_567 = arith.constant 7 : i32
          %add3A_568 = arith.addi %mul3A_566, %add3A_567 : i32
          %mul3A_569 = arith.constant 16 : i32
          %mul3A_570 = arith.muli %add3A_568, %mul3A_569 : i32
          %get3A_571 = arith.index_cast %mul3A_570 : i32 to index
          %get3A_572 = tpu.vector_load %arg5[%get3A_571] {strides = array<i32>} : memref<1024xf32, #tpu.memory_space<vmem>>, vector<16xf32>,
          %add3A_573 = arith.constant 0 : i32
          %add3A_574 = arith.addi %mul3A_80, %add3A_573 : i32
          %mul3A_575 = arith.constant 16 : i32
          %mul3A_576 = arith.muli %add3A_568, %mul3A_575 : i32
          %get3A_577 = arith.index_cast %add3A_574 : i32 to index
          %get3A_578 = arith.index_cast %mul3A_576 : i32 to index
          %get3A_579 = tpu.vector_load %arg7[%get3A_577, %get3A_578] {strides = array<i32>} : memref<40x1024xf32, #tpu.memory_space<vmem>>, vector<16xf32>,
          %mul3A_580 = arith.mulf %get3A_579, %get3A_572 : vector<16xf32>
          %add3A_581 = arith.addf %add3A_529, %mul3A_580 : vector<16xf32>
          %mul3A_582 = arith.mulf %get3A_579, %get3A_579 : vector<16xf32>
          %add3A_583 = arith.addf %add3A_531, %mul3A_582 : vector<16xf32>
          %add3A_584 = arith.constant 1 : i32
          %add3A_585 = arith.addi %mul3A_80, %add3A_584 : i32
          %mul3A_586 = arith.constant 16 : i32
          %mul3A_587 = arith.muli %add3A_568, %mul3A_586 : i32
          %get3A_588 = arith.index_cast %add3A_585 : i32 to index
          %get3A_589 = arith.index_cast %mul3A_587 : i32 to index
          %get3A_590 = tpu.vector_load %arg7[%get3A_588, %get3A_589] {strides = array<i32>} : memref<40x1024xf32, #tpu.memory_space<vmem>>, vector<16xf32>,
          %mul3A_591 = arith.mulf %get3A_590, %get3A_572 : vector<16xf32>
          %add3A_592 = arith.addf %add3A_540, %mul3A_591 : vector<16xf32>
          %mul3A_593 = arith.mulf %get3A_590, %get3A_590 : vector<16xf32>
          %add3A_594 = arith.addf %add3A_542, %mul3A_593 : vector<16xf32>
          %add3A_595 = arith.constant 2 : i32
          %add3A_596 = arith.addi %mul3A_80, %add3A_595 : i32
          %mul3A_597 = arith.constant 16 : i32
          %mul3A_598 = arith.muli %add3A_568, %mul3A_597 : i32
          %get3A_599 = arith.index_cast %add3A_596 : i32 to index
          %get3A_600 = arith.index_cast %mul3A_598 : i32 to index
          %get3A_601 = tpu.vector_load %arg7[%get3A_599, %get3A_600] {strides = array<i32>} : memref<40x1024xf32, #tpu.memory_space<vmem>>, vector<16xf32>,
          %mul3A_602 = arith.mulf %get3A_601, %get3A_572 : vector<16xf32>
          %add3A_603 = arith.addf %add3A_551, %mul3A_602 : vector<16xf32>
          %mul3A_604 = arith.mulf %get3A_601, %get3A_601 : vector<16xf32>
          %add3A_605 = arith.addf %add3A_553, %mul3A_604 : vector<16xf32>
          %add3A_606 = arith.constant 3 : i32
          %add3A_607 = arith.addi %mul3A_80, %add3A_606 : i32
          %mul3A_608 = arith.constant 16 : i32
          %mul3A_609 = arith.muli %add3A_568, %mul3A_608 : i32
          %get3A_610 = arith.index_cast %add3A_607 : i32 to index
          %get3A_611 = arith.index_cast %mul3A_609 : i32 to index
          %get3A_612 = tpu.vector_load %arg7[%get3A_610, %get3A_611] {strides = array<i32>} : memref<40x1024xf32, #tpu.memory_space<vmem>>, vector<16xf32>,
          %mul3A_613 = arith.mulf %get3A_612, %get3A_572 : vector<16xf32>
          %add3A_614 = arith.addf %add3A_562, %mul3A_613 : vector<16xf32>
          %mul3A_615 = arith.mulf %get3A_612, %get3A_612 : vector<16xf32>
          %add3A_616 = arith.addf %add3A_564, %mul3A_615 : vector<16xf32>
          scf.yield %add3A_581, %add3A_583, %add3A_592, %add3A_594, %add3A_603, %add3A_605, %add3A_614, %add3A_616 : vector<16xf32>, vector<16xf32>, vector<16xf32>, vector<16xf32>, vector<16xf32>, vector<16xf32>, vector<16xf32>, vector<16xf32>
        }
        %scan3A_88 = arith.constant 8 : i32
        %reduce_sum3A = arith.constant true
        %reduce_sum3A_89 = vector.broadcast %reduce_sum3A : i1 to vector<16xi1>
        %reduce_sum3A_90 = tpu.scan <sum>, %scan3A_87#0 masked %reduce_sum3A_89 : vector<16xf32>, vector<16xi1> -> vector<16xf32>
        %reduce_sum3A_91 = vector.extract %reduce_sum3A_90[15] : f32 from vector<16xf32>
        %reduce_sum3A_92 = arith.constant true
        %reduce_sum3A_93 = vector.broadcast %reduce_sum3A_92 : i1 to vector<16xi1>
        %reduce_sum3A_94 = tpu.scan <sum>, %scan3A_87#1 masked %reduce_sum3A_93 : vector<16xf32>, vector<16xi1> -> vector<16xf32>
        %reduce_sum3A_95 = vector.extract %reduce_sum3A_94[15] : f32 from vector<16xf32>
        %ge3A = arith.constant 0.000000e+00 : f32
        %ge3A_96 = arith.cmpf oge, %reduce_sum3A_91, %ge3A : f32
        %ge3A_97 = arith.constant 0.000000e+00 : f32
        %ge3A_98 = arith.cmpf oge, %scan3A_75, %ge3A_97 : f32
        %mul3A_99 = arith.mulf %reduce_sum3A_91, %reduce_sum3A_91 : f32
        %mul3A_100 = arith.mulf %mul3A_99, %scan3A_76 : f32
        %mul3A_101 = arith.mulf %scan3A_75, %scan3A_75 : f32
        %mul3A_102 = arith.mulf %mul3A_101, %reduce_sum3A_95 : f32
        %ne3A = arith.xori %ge3A_96, %ge3A_98 : i1
        %gt3A = arith.cmpf ogt, %mul3A_100, %mul3A_102 : f32
        %lt3A_103 = arith.cmpf olt, %mul3A_100, %mul3A_102 : f32
        %select_n3A_104 = arith.select %ge3A_96, %gt3A, %lt3A_103 : i1
        %select_n3A_105 = arith.select %ne3A, %ge3A_96, %select_n3A_104 : i1
        %select_n3A_106 = arith.select %select_n3A_105, %reduce_sum3A_91, %scan3A_75 : f32
        %select_n3A_107 = arith.select %select_n3A_105, %reduce_sum3A_95, %scan3A_76 : f32
        %select_n3A_108 = arith.select %select_n3A_105, %add3A_67, %scan3A_77 : i32
        %add3A_109 = arith.constant 0 : i32
        %add3A_110 = arith.addi %mul3A_80, %add3A_109 : i32
        %select_n3A_111 = arith.select %select_n3A_105, %add3A_110, %scan3A_78 : i32
        %reduce_sum3A_112 = arith.constant true
        %reduce_sum3A_113 = vector.broadcast %reduce_sum3A_112 : i1 to vector<16xi1>
        %reduce_sum3A_114 = tpu.scan <sum>, %scan3A_87#2 masked %reduce_sum3A_113 : vector<16xf32>, vector<16xi1> -> vector<16xf32>
        %reduce_sum3A_115 = vector.extract %reduce_sum3A_114[15] : f32 from vector<16xf32>
        %reduce_sum3A_116 = arith.constant true
        %reduce_sum3A_117 = vector.broadcast %reduce_sum3A_116 : i1 to vector<16xi1>
        %reduce_sum3A_118 = tpu.scan <sum>, %scan3A_87#3 masked %reduce_sum3A_117 : vector<16xf32>, vector<16xi1> -> vector<16xf32>
        %reduce_sum3A_119 = vector.extract %reduce_sum3A_118[15] : f32 from vector<16xf32>
        %ge3A_120 = arith.constant 0.000000e+00 : f32
        %ge3A_121 = arith.cmpf oge, %reduce_sum3A_115, %ge3A_120 : f32
        %ge3A_122 = arith.constant 0.000000e+00 : f32
        %ge3A_123 = arith.cmpf oge, %select_n3A_106, %ge3A_122 : f32
        %mul3A_124 = arith.mulf %reduce_sum3A_115, %reduce_sum3A_115 : f32
        %mul3A_125 = arith.mulf %mul3A_124, %select_n3A_107 : f32
        %mul3A_126 = arith.mulf %select_n3A_106, %select_n3A_106 : f32
        %mul3A_127 = arith.mulf %mul3A_126, %reduce_sum3A_119 : f32
        %ne3A_128 = arith.xori %ge3A_121, %ge3A_123 : i1
        %gt3A_129 = arith.cmpf ogt, %mul3A_125, %mul3A_127 : f32
        %lt3A_130 = arith.cmpf olt, %mul3A_125, %mul3A_127 : f32
        %select_n3A_131 = arith.select %ge3A_121, %gt3A_129, %lt3A_130 : i1
        %select_n3A_132 = arith.select %ne3A_128, %ge3A_121, %select_n3A_131 : i1
        %select_n3A_133 = arith.select %select_n3A_132, %reduce_sum3A_115, %select_n3A_106 : f32
        %select_n3A_134 = arith.select %select_n3A_132, %reduce_sum3A_119, %select_n3A_107 : f32
        %select_n3A_135 = arith.select %select_n3A_132, %add3A_67, %select_n3A_108 : i32
        %add3A_136 = arith.constant 1 : i32
        %add3A_137 = arith.addi %mul3A_80, %add3A_136 : i32
        %select_n3A_138 = arith.select %select_n3A_132, %add3A_137, %select_n3A_111 : i32
        %reduce_sum3A_139 = arith.constant true
        %reduce_sum3A_140 = vector.broadcast %reduce_sum3A_139 : i1 to vector<16xi1>
        %reduce_sum3A_141 = tpu.scan <sum>, %scan3A_87#4 masked %reduce_sum3A_140 : vector<16xf32>, vector<16xi1> -> vector<16xf32>
        %reduce_sum3A_142 = vector.extract %reduce_sum3A_141[15] : f32 from vector<16xf32>
        %reduce_sum3A_143 = arith.constant true
        %reduce_sum3A_144 = vector.broadcast %reduce_sum3A_143 : i1 to vector<16xi1>
        %reduce_sum3A_145 = tpu.scan <sum>, %scan3A_87#5 masked %reduce_sum3A_144 : vector<16xf32>, vector<16xi1> -> vector<16xf32>
        %reduce_sum3A_146 = vector.extract %reduce_sum3A_145[15] : f32 from vector<16xf32>
        %ge3A_147 = arith.constant 0.000000e+00 : f32
        %ge3A_148 = arith.cmpf oge, %reduce_sum3A_142, %ge3A_147 : f32
        %ge3A_149 = arith.constant 0.000000e+00 : f32
        %ge3A_150 = arith.cmpf oge, %select_n3A_133, %ge3A_149 : f32
        %mul3A_151 = arith.mulf %reduce_sum3A_142, %reduce_sum3A_142 : f32
        %mul3A_152 = arith.mulf %mul3A_151, %select_n3A_134 : f32
        %mul3A_153 = arith.mulf %select_n3A_133, %select_n3A_133 : f32
        %mul3A_154 = arith.mulf %mul3A_153, %reduce_sum3A_146 : f32
        %ne3A_155 = arith.xori %ge3A_148, %ge3A_150 : i1
        %gt3A_156 = arith.cmpf ogt, %mul3A_152, %mul3A_154 : f32
        %lt3A_157 = arith.cmpf olt, %mul3A_152, %mul3A_154 : f32
        %select_n3A_158 = arith.select %ge3A_148, %gt3A_156, %lt3A_157 : i1
        %select_n3A_159 = arith.select %ne3A_155, %ge3A_148, %select_n3A_158 : i1
        %select_n3A_160 = arith.select %select_n3A_159, %reduce_sum3A_142, %select_n3A_133 : f32
        %select_n3A_161 = arith.select %select_n3A_159, %reduce_sum3A_146, %select_n3A_134 : f32
        %select_n3A_162 = arith.select %select_n3A_159, %add3A_67, %select_n3A_135 : i32
        %add3A_163 = arith.constant 2 : i32
        %add3A_164 = arith.addi %mul3A_80, %add3A_163 : i32
        %select_n3A_165 = arith.select %select_n3A_159, %add3A_164, %select_n3A_138 : i32
        %reduce_sum3A_166 = arith.constant true
        %reduce_sum3A_167 = vector.broadcast %reduce_sum3A_166 : i1 to vector<16xi1>
        %reduce_sum3A_168 = tpu.scan <sum>, %scan3A_87#6 masked %reduce_sum3A_167 : vector<16xf32>, vector<16xi1> -> vector<16xf32>
        %reduce_sum3A_169 = vector.extract %reduce_sum3A_168[15] : f32 from vector<16xf32>
        %reduce_sum3A_170 = arith.constant true
        %reduce_sum3A_171 = vector.broadcast %reduce_sum3A_170 : i1 to vector<16xi1>
        %reduce_sum3A_172 = tpu.scan <sum>, %scan3A_87#7 masked %reduce_sum3A_171 : vector<16xf32>, vector<16xi1> -> vector<16xf32>
        %reduce_sum3A_173 = vector.extract %reduce_sum3A_172[15] : f32 from vector<16xf32>
        %ge3A_174 = arith.constant 0.000000e+00 : f32
        %ge3A_175 = arith.cmpf oge, %reduce_sum3A_169, %ge3A_174 : f32
        %ge3A_176 = arith.constant 0.000000e+00 : f32
        %ge3A_177 = arith.cmpf oge, %select_n3A_160, %ge3A_176 : f32
        %mul3A_178 = arith.mulf %reduce_sum3A_169, %reduce_sum3A_169 : f32
        %mul3A_179 = arith.mulf %mul3A_178, %select_n3A_161 : f32
        %mul3A_180 = arith.mulf %select_n3A_160, %select_n3A_160 : f32
        %mul3A_181 = arith.mulf %mul3A_180, %reduce_sum3A_173 : f32
        %ne3A_182 = arith.xori %ge3A_175, %ge3A_177 : i1
        %gt3A_183 = arith.cmpf ogt, %mul3A_179, %mul3A_181 : f32
        %lt3A_184 = arith.cmpf olt, %mul3A_179, %mul3A_181 : f32
        %select_n3A_185 = arith.select %ge3A_175, %gt3A_183, %lt3A_184 : i1
        %select_n3A_186 = arith.select %ne3A_182, %ge3A_175, %select_n3A_185 : i1
        %select_n3A_187 = arith.select %select_n3A_186, %reduce_sum3A_169, %select_n3A_160 : f32
        %select_n3A_188 = arith.select %select_n3A_186, %reduce_sum3A_173, %select_n3A_161 : f32
        %select_n3A_189 = arith.select %select_n3A_186, %add3A_67, %select_n3A_162 : i32
        %add3A_190 = arith.constant 3 : i32
        %add3A_191 = arith.addi %mul3A_80, %add3A_190 : i32
        %select_n3A_192 = arith.select %select_n3A_186, %add3A_191, %select_n3A_165 : i32
        scf.yield %select_n3A_187, %select_n3A_188, %select_n3A_189, %select_n3A_192 : f32, f32, i32, i32
      }
      %scan3A_73 = arith.constant 10 : i32
      scf.yield %scan3A_72#0, %scan3A_72#1, %scan3A_72#2, %scan3A_72#3 : f32, f32, i32, i32
    }
    %scan3A_16 = arith.constant 16 : i32
    %iota3A = tpu.iota {dimensions = array<i32: 0>} : vector<16xi32>
    %eq3A = arith.constant 0 : i32
    %eq3A_17 = vector.broadcast %eq3A : i32 to vector<16xi32>
    %eq3A_18 = arith.cmpi eq, %iota3A, %eq3A_17 : vector<16xi32>
    %eq3A_19 = arith.constant 1 : i32
    %eq3A_20 = vector.broadcast %eq3A_19 : i32 to vector<16xi32>
    %eq3A_21 = arith.cmpi eq, %iota3A, %eq3A_20 : vector<16xi32>
    %jit3A = arith.constant 0.000000e+00 : f32
    %broadcast_in_dim3A = vector.broadcast %scan3A_15#1 : f32 to vector<16xf32>
    %broadcast_in_dim3A_22 = vector.broadcast %jit3A : f32 to vector<16xf32>
    %select_n3A = arith.select %eq3A_21, %broadcast_in_dim3A, %broadcast_in_dim3A_22 : vector<16xi1>, vector<16xf32>
    %broadcast_in_dim3A_23 = vector.broadcast %scan3A_15#0 : f32 to vector<16xf32>
    %select_n3A_24 = arith.select %eq3A_18, %broadcast_in_dim3A_23, %select_n3A : vector<16xi1>, vector<16xf32>
    %swap3A = arith.constant 0 : index
    %swap3A_25 = tpu.vector_load %arg8[%swap3A] {strides = array<i32>} : memref<16xf32, #tpu.memory_space<vmem>>, vector<16xf32>,
    tpu.vector_store %arg8[%swap3A], %select_n3A_24 {strides = array<i32>} : memref<16xf32, #tpu.memory_space<vmem>>, vector<16xf32>,
    "tpu.region"() ({
      %run_scoped3A = tpu.sem_alloc : memref<!tpu.dma_semaphore, #tpu.memory_space<semaphore_mem>>
      %dma_start3A_29 = arith.constant 1024 : i32
      %dma_start3A_30 = tpu.memref_slice %arg4[%add3A, %dma_start3A_29] : memref<32x1040xf32, #tpu.memory_space<hbm>> -> memref<1x16xf32, #tpu.memory_space<hbm>>
      %dma_start3A_31 = tpu.memref_squeeze %dma_start3A_30 : memref<1x16xf32, #tpu.memory_space<hbm>> -> memref<16xf32, #tpu.memory_space<hbm>>
      %dma_start3A_32 = arith.constant 1024 : i32
      %dma_start3A_33 = tpu.memref_slice %arg4[%add3A, %dma_start3A_32] : memref<32x1040xf32, #tpu.memory_space<hbm>> -> memref<1x16xf32, #tpu.memory_space<hbm>>
      %dma_start3A_34 = tpu.memref_squeeze %dma_start3A_33 : memref<1x16xf32, #tpu.memory_space<hbm>> -> memref<16xf32, #tpu.memory_space<hbm>>
      tpu.enqueue_dma source(%arg8 : memref<16xf32, #tpu.memory_space<vmem>>) target(%dma_start3A_34 : memref<16xf32, #tpu.memory_space<hbm>>) target_semaphore(%run_scoped3A : memref<!tpu.dma_semaphore, #tpu.memory_space<semaphore_mem>>)
      %dma_wait3A = arith.constant 1024 : i32
      %dma_wait3A_35 = tpu.memref_slice %arg4[%add3A, %dma_wait3A] : memref<32x1040xf32, #tpu.memory_space<hbm>> -> memref<1x16xf32, #tpu.memory_space<hbm>>
      %dma_wait3A_36 = tpu.memref_squeeze %dma_wait3A_35 : memref<1x16xf32, #tpu.memory_space<hbm>> -> memref<16xf32, #tpu.memory_space<hbm>>
      %dma_wait3A_37 = arith.constant 1024 : i32
      %dma_wait3A_38 = tpu.memref_slice %arg4[%add3A, %dma_wait3A_37] : memref<32x1040xf32, #tpu.memory_space<hbm>> -> memref<1x16xf32, #tpu.memory_space<hbm>>
      %dma_wait3A_39 = tpu.memref_squeeze %dma_wait3A_38 : memref<1x16xf32, #tpu.memory_space<hbm>> -> memref<16xf32, #tpu.memory_space<hbm>>
      tpu.wait_dma2 semaphore(%run_scoped3A : memref<!tpu.dma_semaphore, #tpu.memory_space<semaphore_mem>>) src(%arg8 : memref<16xf32, #tpu.memory_space<vmem>>) dst(%dma_wait3A_39 : memref<16xf32, #tpu.memory_space<hbm>>)
      tpu.yield
    }) : () -> ()
    %mul3A_26 = arith.constant 40 : i32
    %mul3A_27 = arith.muli %scan3A_15#2, %mul3A_26 : i32
    %add3A_28 = arith.addi %mul3A_2, %mul3A_27 : i32
    "tpu.region"() ({
      %run_scoped3A = tpu.sem_alloc : memref<!tpu.dma_semaphore, #tpu.memory_space<semaphore_mem>>
      %dma_start3A_29 = arith.constant 0 : i32
      %dma_start3A_30 = tpu.memref_slice %arg2[%add3A_28, %dma_start3A_29] : memref<100000x1024xf32, #tpu.memory_space<hbm>> -> memref<40x1024xf32, #tpu.memory_space<hbm>>
      %dma_start3A_31 = arith.constant 0 : i32
      %dma_start3A_32 = tpu.memref_slice %arg2[%add3A_28, %dma_start3A_31] : memref<100000x1024xf32, #tpu.memory_space<hbm>> -> memref<40x1024xf32, #tpu.memory_space<hbm>>
      tpu.enqueue_dma source(%dma_start3A_32 : memref<40x1024xf32, #tpu.memory_space<hbm>>) target(%arg7 : memref<40x1024xf32, #tpu.memory_space<vmem>>) target_semaphore(%run_scoped3A : memref<!tpu.dma_semaphore, #tpu.memory_space<semaphore_mem>>)
      %dma_wait3A = arith.constant 0 : i32
      %dma_wait3A_33 = tpu.memref_slice %arg2[%add3A_28, %dma_wait3A] : memref<100000x1024xf32, #tpu.memory_space<hbm>> -> memref<40x1024xf32, #tpu.memory_space<hbm>>
      %dma_wait3A_34 = arith.constant 0 : i32
      %dma_wait3A_35 = tpu.memref_slice %arg2[%add3A_28, %dma_wait3A_34] : memref<100000x1024xf32, #tpu.memory_space<hbm>> -> memref<40x1024xf32, #tpu.memory_space<hbm>>
      tpu.wait_dma2 semaphore(%run_scoped3A : memref<!tpu.dma_semaphore, #tpu.memory_space<semaphore_mem>>) src(%dma_wait3A_35 : memref<40x1024xf32, #tpu.memory_space<hbm>>) dst(%arg7 : memref<40x1024xf32, #tpu.memory_space<vmem>>)
      tpu.yield
    }) : () -> ()
    "tpu.region"() ({
      %run_scoped3A = tpu.sem_alloc : memref<!tpu.dma_semaphore, #tpu.memory_space<semaphore_mem>>
      %dma_start3A_29 = arith.constant 0 : i32
      %dma_start3A_30 = tpu.memref_slice %arg7[%scan3A_15#3, %dma_start3A_29] : memref<40x1024xf32, #tpu.memory_space<vmem>> -> memref<1x1024xf32, #tpu.memory_space<vmem>>
      %dma_start3A_31 = tpu.memref_squeeze %dma_start3A_30 : memref<1x1024xf32, #tpu.memory_space<vmem>> -> memref<1024xf32, #tpu.memory_space<vmem>>
      %dma_start3A_32 = arith.constant 0 : i32
      %dma_start3A_33 = tpu.memref_slice %arg4[%add3A, %dma_start3A_32] : memref<32x1040xf32, #tpu.memory_space<hbm>> -> memref<1x1024xf32, #tpu.memory_space<hbm>>
      %dma_start3A_34 = tpu.memref_squeeze %dma_start3A_33 : memref<1x1024xf32, #tpu.memory_space<hbm>> -> memref<1024xf32, #tpu.memory_space<hbm>>
      %dma_start3A_35 = arith.constant 0 : i32
      %dma_start3A_36 = tpu.memref_slice %arg4[%add3A, %dma_start3A_35] : memref<32x1040xf32, #tpu.memory_space<hbm>> -> memref<1x1024xf32, #tpu.memory_space<hbm>>
      %dma_start3A_37 = tpu.memref_squeeze %dma_start3A_36 : memref<1x1024xf32, #tpu.memory_space<hbm>> -> memref<1024xf32, #tpu.memory_space<hbm>>
      %dma_start3A_38 = arith.constant 0 : i32
      %dma_start3A_39 = tpu.memref_slice %arg7[%scan3A_15#3, %dma_start3A_38] : memref<40x1024xf32, #tpu.memory_space<vmem>> -> memref<1x1024xf32, #tpu.memory_space<vmem>>
      %dma_start3A_40 = tpu.memref_squeeze %dma_start3A_39 : memref<1x1024xf32, #tpu.memory_space<vmem>> -> memref<1024xf32, #tpu.memory_space<vmem>>
      tpu.enqueue_dma source(%dma_start3A_40 : memref<1024xf32, #tpu.memory_space<vmem>>) target(%dma_start3A_37 : memref<1024xf32, #tpu.memory_space<hbm>>) target_semaphore(%run_scoped3A : memref<!tpu.dma_semaphore, #tpu.memory_space<semaphore_mem>>)
      %dma_wait3A = arith.constant 0 : i32
      %dma_wait3A_41 = tpu.memref_slice %arg7[%scan3A_15#3, %dma_wait3A] : memref<40x1024xf32, #tpu.memory_space<vmem>> -> memref<1x1024xf32, #tpu.memory_space<vmem>>
      %dma_wait3A_42 = tpu.memref_squeeze %dma_wait3A_41 : memref<1x1024xf32, #tpu.memory_space<vmem>> -> memref<1024xf32, #tpu.memory_space<vmem>>
      %dma_wait3A_43 = arith.constant 0 : i32
      %dma_wait3A_44 = tpu.memref_slice %arg4[%add3A, %dma_wait3A_43] : memref<32x1040xf32, #tpu.memory_space<hbm>> -> memref<1x1024xf32, #tpu.memory_space<hbm>>
      %dma_wait3A_45 = tpu.memref_squeeze %dma_wait3A_44 : memref<1x1024xf32, #tpu.memory_space<hbm>> -> memref<1024xf32, #tpu.memory_space<hbm>>
      %dma_wait3A_46 = arith.constant 0 : i32
      %dma_wait3A_47 = tpu.memref_slice %arg4[%add3A, %dma_wait3A_46] : memref<32x1040xf32, #tpu.memory_space<hbm>> -> memref<1x1024xf32, #tpu.memory_space<hbm>>
      %dma_wait3A_48 = tpu.memref_squeeze %dma_wait3A_47 : memref<1x1024xf32, #tpu.memory_space<hbm>> -> memref<1024xf32, #tpu.memory_space<hbm>>
      %dma_wait3A_49 = arith.constant 0 : i32
      %dma_wait3A_50 = tpu.memref_slice %arg7[%scan3A_15#3, %dma_wait3A_49] : memref<40x1024xf32, #tpu.memory_space<vmem>> -> memref<1x1024xf32, #tpu.memory_space<vmem>>
      %dma_wait3A_51 = tpu.memref_squeeze %dma_wait3A_50 : memref<1x1024xf32, #tpu.memory_space<vmem>> -> memref<1024xf32, #tpu.memory_space<vmem>>
      tpu.wait_dma2 semaphore(%run_scoped3A : memref<!tpu.dma_semaphore, #tpu.memory_space<semaphore_mem>>) src(%dma_wait3A_51 : memref<1024xf32, #tpu.memory_space<vmem>>) dst(%dma_wait3A_48 : memref<1024xf32, #tpu.memory_space<hbm>>)
      tpu.yield
    }) : () -> ()
    return
  }
}

module attributes {stable_mosaic.version = 14 : i64} {
  func.func @_merge_body(%arg0: memref<1x1024xf32, #tpu.memory_space<vmem>>, %arg1: memref<32x1040xf32, #tpu.memory_space<vmem>>, %arg2: memref<1x1xf32, #tpu.memory_space<vmem>>, %arg3: memref<1x1024xf32, #tpu.memory_space<vmem>>, %arg4: memref<1x1024xf32, #tpu.memory_space<vmem>>) attributes {dimension_semantics = [], scalar_prefetch = 0 : i64, scratch_operands = 0 : i64, tpu.core_type = #tpu.core_type<tc>} {
    %get3A = arith.constant 0 : index
    %get3A_0 = arith.constant 0 : index
    %get3A_1 = vector.load %arg0[%get3A, %get3A_0] : memref<1x1024xf32, #tpu.memory_space<vmem>>, vector<1x1024xf32>
    %mul3A = arith.mulf %get3A_1, %get3A_1 : vector<1x1024xf32>
    %reduce_sum3A = vector.shape_cast %mul3A : vector<1x1024xf32> to vector<1x1x1024xf32>
    %reduce_sum3A_2 = arith.constant dense<0.000000e+00> : vector<1xf32>
    %reduce_sum3A_3 = vector.multi_reduction <add>, %reduce_sum3A, %reduce_sum3A_2 [1, 2] : vector<1x1x1024xf32> to vector<1xf32>
    %reduce_sum3A_4 = vector.shape_cast %reduce_sum3A_3 : vector<1xf32> to vector<1x1x1xf32>
    %reduce_sum3A_5 = vector.extract %reduce_sum3A_4[0, 0, 0] : f32 from vector<1x1x1xf32>
    %sqrt3A = math.sqrt %reduce_sum3A_5 : f32
    %get3A_6 = arith.constant 0 : index
    %get3A_7 = arith.constant 1024 : index
    %get3A_8 = vector.load %arg1[%get3A_6, %get3A_7] : memref<32x1040xf32, #tpu.memory_space<vmem>>, vector<32x1xf32>
    %get3A_9 = arith.constant 0 : index
    %get3A_10 = arith.constant 1025 : index
    %get3A_11 = vector.load %arg1[%get3A_9, %get3A_10] : memref<32x1040xf32, #tpu.memory_space<vmem>>, vector<32x1xf32>
    %sqrt3A_12 = math.sqrt %get3A_11 : vector<32x1xf32>
    %mul3A_13 = vector.broadcast %sqrt3A : f32 to vector<32x1xf32>
    %mul3A_14 = arith.mulf %mul3A_13, %sqrt3A_12 : vector<32x1xf32>
    %max3A = arith.constant 9.99999993E-9 : f32
    %max3A_15 = vector.broadcast %max3A : f32 to vector<32x1xf32>
    %max3A_16 = arith.maximumf %mul3A_14, %max3A_15 : vector<32x1xf32>
    %div3A = arith.divf %get3A_8, %max3A_16 : vector<32x1xf32>
    %reduce_max3A = vector.shape_cast %div3A : vector<32x1xf32> to vector<1x32x1xf32>
    %reduce_max3A_17 = arith.constant dense<0xFF800000> : vector<1xf32>
    %reduce_max3A_18 = vector.multi_reduction <maximumf>, %reduce_max3A, %reduce_max3A_17 [1, 2] : vector<1x32x1xf32> to vector<1xf32>
    %reduce_max3A_19 = vector.shape_cast %reduce_max3A_18 : vector<1xf32> to vector<1x1x1xf32>
    %reduce_max3A_20 = vector.extract %reduce_max3A_19[0, 0, 0] : f32 from vector<1x1x1xf32>
    %iota3A = tpu.iota {dimensions = array<i32: 0>} : vector<32x1xi32>
    %eq3A = vector.broadcast %reduce_max3A_20 : f32 to vector<32x1xf32>
    %eq3A_21 = arith.cmpf oeq, %div3A, %eq3A : vector<32x1xf32>
    %jit3A = arith.constant 32 : i32
    %broadcast_in_dim3A = vector.broadcast %jit3A : i32 to vector<32x1xi32>
    %select_n3A = arith.select %eq3A_21, %iota3A, %broadcast_in_dim3A : vector<32x1xi1>, vector<32x1xi32>
    %reduce_min3A = vector.shape_cast %select_n3A : vector<32x1xi32> to vector<1x32x1xi32>
    %reduce_min3A_22 = arith.constant dense<2147483647> : vector<1xi32>
    %reduce_min3A_23 = vector.multi_reduction <minsi>, %reduce_min3A, %reduce_min3A_22 [1, 2] : vector<1x32x1xi32> to vector<1xi32>
    %reduce_min3A_24 = vector.shape_cast %reduce_min3A_23 : vector<1xi32> to vector<1x1x1xi32>
    %reduce_min3A_25 = vector.extract %reduce_min3A_24[0, 0, 0] : i32 from vector<1x1x1xi32>
    %get3A_26 = arith.index_cast %reduce_min3A_25 : i32 to index
    %get3A_27 = arith.constant 0 : index
    %get3A_28 = vector.load %arg1[%get3A_26, %get3A_27] : memref<32x1040xf32, #tpu.memory_space<vmem>>, vector<1x1024xf32>
    %get3A_29 = arith.constant 0 : index
    %get3A_30 = arith.constant 0 : index
    %get3A_31 = vector.load %arg2[%get3A_29, %get3A_30] : memref<1x1xf32, #tpu.memory_space<vmem>>, vector<1x1xf32>
    %get3A_32 = vector.extract %get3A_31[0, 0] : f32 from vector<1x1xf32>
    %gt3A = arith.cmpf ogt, %get3A_32, %reduce_max3A_20 : f32
    %get3A_33 = arith.constant 0 : index
    %get3A_34 = arith.constant 0 : index
    %get3A_35 = vector.load %arg3[%get3A_33, %get3A_34] : memref<1x1024xf32, #tpu.memory_space<vmem>>, vector<1x1024xf32>
    %select_n3A_36 = arith.select %gt3A, %get3A_35, %get3A_28 : vector<1x1024xf32>
    %swap3A = arith.constant 0 : index
    %swap3A_37 = arith.constant 0 : index
    %swap3A_38 = vector.load %arg4[%swap3A, %swap3A_37] : memref<1x1024xf32, #tpu.memory_space<vmem>>, vector<1x1024xf32>
    tpu.vector_store %arg4[%swap3A, %swap3A_37], %select_n3A_36 {strides = array<i32>} : memref<1x1024xf32, #tpu.memory_space<vmem>>, vector<1x1024xf32>,
    return
  }
}

module attributes {stable_mosaic.version = 14 : i64} {
  func.func @_tc_body(%arg0: i32, %arg1: memref<1x1024xf32, #tpu.memory_space<vmem>>, %arg2: memref<2000x1024xf32, #tpu.memory_space<vmem>>, %arg3: memref<1x1024xf32, #tpu.memory_space<vmem>>, %arg4: memref<1x1xf32, #tpu.memory_space<vmem>>, %arg5: memref<1xf32, #tpu.memory_space<smem>>) attributes {dimension_semantics = [#tpu.dimension_semantics<arbitrary>], iteration_bounds = array<i64: 30>, scalar_prefetch = 0 : i64, scratch_operands = 1 : i64, tpu.core_type = #tpu.core_type<tc>, window_params = [{pipeline_mode = #tpu.pipeline_mode<synchronous>, transform_indices = @transform_0, window_bounds = array<i64: 1, 1024>}, {transform_indices = @transform_1, window_bounds = array<i64: 2000, 1024>}, {pipeline_mode = #tpu.pipeline_mode<synchronous>, transform_indices = @transform_2, window_bounds = array<i64: 1, 1024>}, {pipeline_mode = #tpu.pipeline_mode<synchronous>, transform_indices = @transform_3, window_bounds = array<i64: 1, 1>}]} {
    %eq3A = arith.constant 0 : i32
    %eq3A_0 = arith.cmpi eq, %arg0, %eq3A : i32
    %convert_element_type3A = arith.extui %eq3A_0 : i1 to i32
    %cond3A = arith.constant 0 : i32
    %cond3A_1 = arith.cmpi ne, %convert_element_type3A, %cond3A : i32
    scf.if %cond3A_1 {
      %swap3A = arith.constant 0xFF800000 : f32
      %swap3A_35 = arith.constant 0 : index
      %swap3A_36 = memref.load %arg5[%swap3A_35] : memref<1xf32, #tpu.memory_space<smem>>
      memref.store %swap3A, %arg5[%swap3A_35] : memref<1xf32, #tpu.memory_space<smem>>
    } else {
    }
    %get3A = arith.constant 0 : index
    %get3A_2 = arith.constant 0 : index
    %get3A_3 = vector.load %arg1[%get3A, %get3A_2] : memref<1x1024xf32, #tpu.memory_space<vmem>>, vector<1x1024xf32>
    %get3A_4 = arith.constant 0 : index
    %get3A_5 = arith.constant 0 : index
    %get3A_6 = vector.load %arg2[%get3A_4, %get3A_5] : memref<2000x1024xf32, #tpu.memory_space<vmem>>, vector<2000x1024xf32>
    %dot_general3A = arith.constant dense<0.000000e+00> : vector<2000x1xf32>
    %dot_general3A_7 = tpu.matmul %get3A_6, %get3A_3, %dot_general3A {dimension_numbers = #tpu.dot_dimension_numbers<[1], [1], [0], [0], [0, 0, 1, 0], [], []>, transpose_lhs_hint = false} : vector<2000x1024xf32>, vector<1x1024xf32>, vector<2000x1xf32> -> vector<2000x1xf32>
    %broadcast_in_dim3A = arith.constant 1.000000e+00 : f32
    %broadcast_in_dim3A_8 = vector.broadcast %broadcast_in_dim3A : f32 to vector<1x1024xf32>
    %mul3A = arith.mulf %get3A_6, %get3A_6 : vector<2000x1024xf32>
    %dot_general3A_9 = arith.constant dense<0.000000e+00> : vector<2000x1xf32>
    %dot_general3A_10 = tpu.matmul %mul3A, %broadcast_in_dim3A_8, %dot_general3A_9 {dimension_numbers = #tpu.dot_dimension_numbers<[1], [1], [0], [0], [0, 0, 1, 0], [], []>, transpose_lhs_hint = false} : vector<2000x1024xf32>, vector<1x1024xf32>, vector<2000x1xf32> -> vector<2000x1xf32>
    %mul3A_11 = arith.mulf %get3A_3, %get3A_3 : vector<1x1024xf32>
    %reduce_sum3A = vector.shape_cast %mul3A_11 : vector<1x1024xf32> to vector<1x1x1024xf32>
    %reduce_sum3A_12 = arith.constant dense<0.000000e+00> : vector<1xf32>
    %reduce_sum3A_13 = vector.multi_reduction <add>, %reduce_sum3A, %reduce_sum3A_12 [1, 2] : vector<1x1x1024xf32> to vector<1xf32>
    %reduce_sum3A_14 = vector.shape_cast %reduce_sum3A_13 : vector<1xf32> to vector<1x1x1xf32>
    %reduce_sum3A_15 = vector.extract %reduce_sum3A_14[0, 0, 0] : f32 from vector<1x1x1xf32>
    %sqrt3A = math.sqrt %reduce_sum3A_15 : f32
    %sqrt3A_16 = math.sqrt %dot_general3A_10 : vector<2000x1xf32>
    %mul3A_17 = vector.broadcast %sqrt3A : f32 to vector<2000x1xf32>
    %mul3A_18 = arith.mulf %mul3A_17, %sqrt3A_16 : vector<2000x1xf32>
    %max3A = arith.constant 9.99999993E-9 : f32
    %max3A_19 = vector.broadcast %max3A : f32 to vector<2000x1xf32>
    %max3A_20 = arith.maximumf %mul3A_18, %max3A_19 : vector<2000x1xf32>
    %div3A = arith.divf %dot_general3A_7, %max3A_20 : vector<2000x1xf32>
    %reduce_max3A = vector.shape_cast %div3A : vector<2000x1xf32> to vector<1x2000x1xf32>
    %reduce_max3A_21 = arith.constant dense<0xFF800000> : vector<1xf32>
    %reduce_max3A_22 = vector.multi_reduction <maximumf>, %reduce_max3A, %reduce_max3A_21 [1, 2] : vector<1x2000x1xf32> to vector<1xf32>
    %reduce_max3A_23 = vector.shape_cast %reduce_max3A_22 : vector<1xf32> to vector<1x1x1xf32>
    %reduce_max3A_24 = vector.extract %reduce_max3A_23[0, 0, 0] : f32 from vector<1x1x1xf32>
    %get3A_25 = arith.constant 0 : index
    %get3A_26 = memref.load %arg5[%get3A_25] : memref<1xf32, #tpu.memory_space<smem>>
    %gt3A = arith.cmpf ogt, %reduce_max3A_24, %get3A_26 : f32
    %convert_element_type3A_27 = arith.extui %gt3A : i1 to i32
    %cond3A_28 = arith.constant 0 : i32
    %cond3A_29 = arith.cmpi ne, %convert_element_type3A_27, %cond3A_28 : i32
    scf.if %cond3A_29 {
      %swap3A = arith.constant 0 : index
      %swap3A_35 = memref.load %arg5[%swap3A] : memref<1xf32, #tpu.memory_space<smem>>
      memref.store %reduce_max3A_24, %arg5[%swap3A] : memref<1xf32, #tpu.memory_space<smem>>
      %iota3A = tpu.iota {dimensions = array<i32: 0>} : vector<2000x1xi32>
      %eq3A_36 = vector.broadcast %reduce_max3A_24 : f32 to vector<2000x1xf32>
      %eq3A_37 = arith.cmpf oeq, %div3A, %eq3A_36 : vector<2000x1xf32>
      %jit3A = arith.constant 2000 : i32
      %broadcast_in_dim3A_38 = vector.broadcast %jit3A : i32 to vector<2000x1xi32>
      %select_n3A = arith.select %eq3A_37, %iota3A, %broadcast_in_dim3A_38 : vector<2000x1xi1>, vector<2000x1xi32>
      %reduce_min3A = vector.shape_cast %select_n3A : vector<2000x1xi32> to vector<1x2000x1xi32>
      %reduce_min3A_39 = arith.constant dense<2147483647> : vector<1xi32>
      %reduce_min3A_40 = vector.multi_reduction <minsi>, %reduce_min3A, %reduce_min3A_39 [1, 2] : vector<1x2000x1xi32> to vector<1xi32>
      %reduce_min3A_41 = vector.shape_cast %reduce_min3A_40 : vector<1xi32> to vector<1x1x1xi32>
      %reduce_min3A_42 = vector.extract %reduce_min3A_41[0, 0, 0] : i32 from vector<1x1x1xi32>
      %get3A_43 = arith.index_cast %reduce_min3A_42 : i32 to index
      %get3A_44 = arith.constant 0 : index
      %get3A_45 = vector.load %arg2[%get3A_43, %get3A_44] : memref<2000x1024xf32, #tpu.memory_space<vmem>>, vector<1x1024xf32>
      %swap3A_46 = arith.constant 0 : index
      %swap3A_47 = arith.constant 0 : index
      %swap3A_48 = vector.load %arg3[%swap3A_46, %swap3A_47] : memref<1x1024xf32, #tpu.memory_space<vmem>>, vector<1x1024xf32>
      tpu.vector_store %arg3[%swap3A_46, %swap3A_47], %get3A_45 {strides = array<i32>} : memref<1x1024xf32, #tpu.memory_space<vmem>>, vector<1x1024xf32>,
    } else {
    }
    %eq3A_30 = arith.constant 29 : i32
    %eq3A_31 = arith.cmpi eq, %arg0, %eq3A_30 : i32
    %convert_element_type3A_32 = arith.extui %eq3A_31 : i1 to i32
    %cond3A_33 = arith.constant 0 : i32
    %cond3A_34 = arith.cmpi ne, %convert_element_type3A_32, %cond3A_33 : i32
    scf.if %cond3A_34 {
      %get3A_35 = arith.constant 0 : index
      %get3A_36 = memref.load %arg5[%get3A_35] : memref<1xf32, #tpu.memory_space<smem>>
      %broadcast_in_dim3A_37 = vector.broadcast %get3A_36 : f32 to vector<1x1xf32>
      %swap3A = arith.constant 0 : index
      %swap3A_38 = arith.constant 0 : index
      %swap3A_39 = vector.load %arg4[%swap3A, %swap3A_38] : memref<1x1xf32, #tpu.memory_space<vmem>>, vector<1x1xf32>
      tpu.vector_store %arg4[%swap3A, %swap3A_38], %broadcast_in_dim3A_37 {strides = array<i32>} : memref<1x1xf32, #tpu.memory_space<vmem>>, vector<1x1xf32>,
    } else {
    }
    return
  }
  func.func @transform_0(%arg0: i32) -> (i32, i32) {
    %c0_i32 = arith.constant 0 : i32
    %c0_i32_0 = arith.constant 0 : i32
    %c0_i32_1 = arith.constant 0 : i32
    return %c0_i32, %c0_i32_0 : i32, i32
  }
  func.func @transform_1(%arg0: i32) -> (i32, i32) {
    %add3A = arith.constant 20 : i32
    %add3A_0 = arith.addi %add3A, %arg0 : i32
    %c0_i32 = arith.constant 0 : i32
    %c0_i32_1 = arith.constant 0 : i32
    return %add3A_0, %c0_i32 : i32, i32
  }
  func.func @transform_2(%arg0: i32) -> (i32, i32) {
    %c0_i32 = arith.constant 0 : i32
    %c0_i32_0 = arith.constant 0 : i32
    %c0_i32_1 = arith.constant 0 : i32
    return %c0_i32, %c0_i32_0 : i32, i32
  }
  func.func @transform_3(%arg0: i32) -> (i32, i32) {
    %c0_i32 = arith.constant 0 : i32
    %c0_i32_0 = arith.constant 0 : i32
    %c0_i32_1 = arith.constant 0 : i32
    return %c0_i32, %c0_i32_0 : i32, i32
  }
}

</mosaic_0001>

<sc_bundles>
// kernel: kernel.5.cloned.1.call-start
scs
__scs_entry_jumppad:
0x0: {  	(pc) =	sbr.rel $0x88, $3  }
0x1: {  	(tag) =	ssettag $0x0;
	lr =	simm.s32 $0x1  }
0x2: {  	[smem:$0x3F9F] =	sst lr;
	_ =	strace $0xD0000000  }
0x3: {  	_ = 	snop  }
0x4: {  	_ = 	snop  }
0x5: {  	_ = 	snop  }
0x6: {  	_ = 	snop  }
0x7: {  	_ = 	snop  }
__scs_overlays_trampoline_lowered:
0x8: {  	[smem:$0x3FAE] =	sst s0  }
0x9: {  	[smem:$0x3FAF] =	sst s1  }
0xa: {  	[smem:$0x3FB0] =	sst s2  }
0xb: {  	[smem:$0x3FB1] =	sst s3  }
0xc: {  	[smem:$0x3FB2] =	sst s4  }
0xd: {  	[smem:$0x3FB3] =	sst s5  }
0xe: {  	[smem:$0x3FB4] =	sst s6  }
0xf: {  	[smem:$0x3FB5] =	sst s7  }
0x10: {  	[smem:$0x3FB6] =	sst s8  }
0x11: {  	[smem:$0x3FB7] =	sst s9;
	s0 =	simm.s32 @!p0 $0x0  }
0x12: {  	s1 =	sld [smem:$0x3F9D];
	s0 =	simm.s32 @p0 $0x1  }
0x13: {  	[smem:$0x3FB8] =	sst s0;
	s0 =	simm.s32 @!p1 $0x0  }
0x14: {  	s2 =	sld [smem:$0x3F9C];
	s0 =	simm.s32 @p1 $0x1  }
0x15: {  	[smem:$0x3FB9] =	sst s0;
	s0 =	simm.s32 @!p2 $0x0  }
0x16: {  	s3 =	sld [smem:$0x3FDB];
	s0 =	simm.s32 @p2 $0x1  }
0x17: {  	s4 =	simm.s32 $0x1BF5;
	[smem:$0x3FBB] =	sst s0  }
0x18: {  	s0 =	sld [smem:$0x3F9E];
	_ =	swait.ge [sflag:s4], $0x0  }
0x19: {  	s7 =	sld [smem:$0x3F9F]  }
0x1a: {  	s8 =	sadd.s32 $0xFFFFE003, lr  }
0x1b: {  	s9 =	sadd.s32 $0xFFFFFEF7, lr;
	s5 =	simm.s32 $0xFFFFFFFF;
	p2 =	slt.u32 s8, $0xFFFFF086  }
0x1c: {  	p1 =	slt.u32 s9, $0xF7A;
	s5 =	simm.s32 @!p2 $0x0  }
0x1d: {  	s5 =	simm.s32 @p1 $0x1;
	p0 =	seq.s32 s7, s2  }
0x1e: {  	s7 =	smul.u32 @!p0 $0xF7A, s2;
	p2 =	seq.s32 @!p0 s5, $0x0  }
0x1f: {  	s9 =	smul.u32 $0xF7A, s1;
	s8 =	simm.s32 @!p0 $0x1BF5;
	p2 =	por !p2, p0  }
0x20: {  	[sflag:s8] =	ssyncset.s32 @!p0 $0xFFFFF086;
	s6 =	sadd.s32 @!p0 s3, s7;
	s7 =	simm.s32 @!p0 $0x108  }
0x21: {  	s3 =	sadd.s32 s3, s9;
	s6 =	sadd.s32 @!p0 $0x88, s6;
	s7 =	simm.s32 @p2 $0x1082  }
0x22: {  	[simem:s7], [sflag:s8] =	dma.local @!p0 [hbm:s6], $0xF7A  }
0x23: {  	s9 =	sor.u32 $0xD0000000, s2;
	s6 =	simm.s32 $0x108;
	_ =	swait.ge @!p0 [sflag:s8], $0x0  }
0x24: {  	s3 =	sadd.s32 $0x88, s3;
	s6 =	simm.s32 @!p1 $0x1082;
	[sflag:s4] =	ssyncset.s32 $0xFFFFF086  }
0x25: {  	[simem:s6], [sflag:s4] =	dma.local [hbm:s3], $0xF7A  }
0x26: {  	[smem:$0x3F9F] =	sst s1;
	(tag) =	ssettag s2;
	_ =	strace s9  }
0x27: {  	s1 =	sld [smem:$0x3FAF]  }
0x28: {  	s2 =	sld [smem:$0x3FB0]  }
0x29: {  	s4 =	sld [smem:$0x3FB2]  }
0x2a: {  	p0 =	seq.s32 s5, $0x0;
	s5 =	sld [smem:$0x3FB3]  }
0x2b: {  	s6 =	sld [smem:$0x3FB4]  }
0x2c: {  	s7 =	sld [smem:$0x3FB5]  }
0x2d: {  	s3 =	simm.s32 $0x108;
	s8 =	sld [smem:$0x3FB6]  }
0x2e: {  	s3 =	simm.s32 @!p0 $0x1082;
	s9 =	sld [smem:$0x3FB7]  }
0x2f: {  	lr =	sadd.s32 s0, s3;
	s0 =	sld [smem:$0x3FAE]  }
0x30: {  	s3 =	sld [smem:$0x3FB1]  }
0x31: {  	[smem:$0x3FBA] =	sst s10  }
0x32: {  	s10 =	sld [smem:$0x3FB8];
	_ =	sdelay $0x3  }
0x33: {  	p0 =	seq.s32 s10, $0x1;
	s10 =	sld [smem:$0x3FBA];
	_ =	sdelay $0x3  }
0x34: {  	[smem:$0x3FBA] =	sst s10  }
0x35: {  	s10 =	sld [smem:$0x3FB9];
	_ =	sdelay $0x3  }
0x36: {  	p1 =	seq.s32 s10, $0x1;
	s10 =	sld [smem:$0x3FBA];
	_ =	sdelay $0x3  }
0x37: {  	[smem:$0x3FBA] =	sst s10  }
0x38: {  	s10 =	sld [smem:$0x3FBB]  }
0x39: {  	_ = 	snop;
	(pc) =	sbr.ind lr, $3  }
0x3a: {  	_ = 	snop  }
0x3b: {  	_ = 	snop  }
0x3c: {  	p2 =	seq.s32 s10, $0x1;
	s10 =	sld [smem:$0x3FBA]  }
0x3d: {  	_ =	shalt  }
0x3e: {  	_ =	shalt  }
0x3f: {  	_ =	shalt  }
0x40: {  	_ =	shalt  }
0x41: {  	_ =	shalt  }
0x42: {  	_ =	shalt  }
0x43: {  	_ =	shalt  }
0x44: {  	_ =	shalt  }
0x45: {  	_ =	shalt  }
0x46: {  	_ =	shalt  }
0x47: {  	_ =	shalt  }
0x48: {  	_ =	shalt  }
0x49: {  	_ =	shalt  }
0x4a: {  	_ =	shalt  }
0x4b: {  	_ =	shalt  }
0x4c: {  	_ =	shalt  }
0x4d: {  	_ =	shalt  }
0x4e: {  	_ =	shalt  }
0x4f: {  	_ =	shalt  }
0x50: {  	_ =	shalt  }
0x51: {  	_ =	shalt  }
0x52: {  	_ =	shalt  }
0x53: {  	_ =	shalt  }
0x54: {  	_ =	shalt  }
0x55: {  	_ =	shalt  }
0x56: {  	_ =	shalt  }
0x57: {  	_ =	shalt  }
0x58: {  	_ =	shalt  }
0x59: {  	_ =	shalt  }
0x5a: {  	_ =	shalt  }
0x5b: {  	_ =	shalt  }
0x5c: {  	_ =	shalt  }
0x5d: {  	_ =	shalt  }
0x5e: {  	_ =	shalt  }
0x5f: {  	_ =	shalt  }
0x60: {  	_ =	shalt  }
0x61: {  	_ =	shalt  }
0x62: {  	_ =	shalt  }
0x63: {  	_ =	shalt  }
0x64: {  	_ =	shalt  }
0x65: {  	_ =	shalt  }
0x66: {  	_ =	shalt  }
0x67: {  	_ =	shalt  }
0x68: {  	_ =	shalt  }
0x69: {  	_ =	shalt  }
0x6a: {  	_ =	shalt  }
0x6b: {  	_ =	shalt  }
0x6c: {  	_ =	shalt  }
0x6d: {  	_ =	shalt  }
0x6e: {  	_ =	shalt  }
0x6f: {  	_ =	shalt  }
0x70: {  	_ =	shalt  }
0x71: {  	_ =	shalt  }
0x72: {  	_ =	shalt  }
0x73: {  	_ =	shalt  }
0x74: {  	_ =	shalt  }
0x75: {  	_ =	shalt  }
0x76: {  	_ =	shalt  }
0x77: {  	_ =	shalt  }
0x78: {  	_ =	shalt  }
0x79: {  	_ =	shalt  }
0x7a: {  	_ =	shalt  }
0x7b: {  	_ =	shalt  }
0x7c: {  	_ =	shalt  }
0x7d: {  	_ =	shalt  }
0x7e: {  	_ =	shalt  }
0x7f: {  	_ =	shalt  }
0x80: {  	_ =	shalt  }
0x81: {  	_ =	shalt  }
0x82: {  	_ =	shalt  }
0x83: {  	_ =	shalt  }
0x84: {  	_ =	shalt  }
0x85: {  	_ =	shalt  }
0x86: {  	_ =	shalt  }
0x87: {  	_ =	shalt  }
.Lfunc_end0:
.L_simem_size_0:
called_computation_lowered:
.L_overlay_start_0:
0x88: {  	s2 =	sld [smem:$0x3FD9]  }
0x89: {  	s3 =	sld [smem:$0x3FFE];
	_ =	sdelay $0x1  }
0x8a: {  	s1 =	srdreg.scid  }
0x8b: {  	s0 =	sand.u32 $0x1, s1  }
0x8c: {  	s17 =	sshll.u32 s0, $0xA;
	s2 =	sadd.s32 s3, s2  }
0x8d: {  	s2 =	sadd.s32 s2, s17  }
0x8e: {  	[smem:$0x3FC6] =	sst s2  }
0x8f: {  	_ = 	snop  }
0x90: {  	s2 =	sld [smem:$0x3FC9]  }
0x91: {  	s18 =	sld [smem:$0x3FC8];
	(tm) =	ssettm $0x1  }
0x92: {  	s4 =	sld [smem:$0x3FFB];
	_ =	sdelay $0x3  }
0x93: {  	_ =	strace s4  }
0x94: {  	s4 =	sld [smem:$0x3FFC];
	_ =	sdelay $0x3  }
0x95: {  	_ =	strace s4  }
0x96: {  	s4 =	sld [smem:$0x3FFD];
	_ =	sdelay $0x3  }
0x97: {  	_ =	strace s4  }
0x98: {  	_ =	strace $0x8FFFFFFF  }
0x99: {  	s19 =	sld [smem:$0x3FDB];
	_ =	sdelay $0x1  }
0x9a: {  	s5 =	simm.s32 $_scs_section_size  }
0x9b: {  	s6 =	simm.s32 $_size__tile_overlayer_lowered;
	s7 =	simm.s32 $_tile_overlayer_lowered  }
0x9c: {  	s22 =	simm.s32 $0x1BFF;
	s21 =	sshll.u32 s7, $0x1;
	s4 =	sadd.s32 s5, s19  }
0x9d: {  	s8 =	simm.s32 $0x0;
	s20 =	sshll.u32 s6, $0x1;
	s6 =	sadd.s32 s21, s4  }
0x9e: {  	[timem:s8], [sflag:s22] =	dma.local [hbm:s6], s20  }
0x9f: {  	_ =	swait.ge [sflag:s22], s20  }
0xa0: {  	s5 =	ssub.s32 $0x0, s20;
	[sflag:s22] =	ssyncset.done $0x0  }
0xa1: {  	[sflag:s22] =	ssyncadd.s32 s5;
	_ =	sdelay $0x1  }
0xa2: {  	s23 =	simm.s32 $0x1B8B  }
0xa3: {  	_ =	swait.ge [sflag:s23], $0x1  }
0xa4: {  	[sflag:s23] =	ssyncset.done $0x0  }
0xa5: {  	s25 =	simm.s32 $0x1B8E;
	s24 =	sld [smem:$0x3FFE];
	[sflag:s23] =	ssyncadd.s32 $0xFFFFFFFF  }
0xa6: {  	s26 =	simm.s32 $execute0_lowered;
	[smem:$0x3FD2] =	sst s25  }
0xa7: {  	s6 =	sshll.u32 s26, $0x1;
	_ =	strace $0x80000046;
	[dreg:$0x1] =	wrdreg $0xFFFFFFFF  }
0xa8: {  	s28 =	simm.s32 $_size_execute0_lowered;
	s4 =	sadd.s32 s4, s6;
	[dreg:$0x0] =	wrdreg $0x0  }
0xa9: {  	s6 =	sshll.u32 s28, $0x1;
	[dreg:$0x2] =	wrdreg s4  }
0xaa: {  	[dreg:$0x3] =	wrdreg s6  }
0xab: {  	[dreg:$0x4] =	wrdreg $0xC0  }
0xac: {  	_ =	task [dreg:s8], $0x5FFFF  }
0xad: {  	[dreg:$0x1] =	wrdreg $0xFFFFFFFF  }
0xae: {  	[dreg:$0x0] =	wrdreg $0x60  }
0xaf: {  	[dreg:$0x2] =	wrdreg s18  }
0xb0: {  	[dreg:$0x3] =	wrdreg s2  }
0xb1: {  	[dreg:$0x4] =	wrdreg s24  }
0xb2: {  	[dreg:$0x5] =	wrdreg $0x9  }
0xb3: {  	_ =	task.clear_ibuf [dreg:s8], $0x6FFFF;
	_ =	strace $0x90000046  }
0xb4: {  	s29 =	simm.s32 $0x9;
	_ =	strace $0x80000048  }
0xb5: {  	_ =	swait.ge [sflag:s29], $0x1  }
0xb6: {  	[sflag:s29] =	ssyncadd.s32 $0xFFFFFFFF  }
0xb7: {  	_ =	strace $0x90000048  }
0xb8: {  	_ =	sfence  }
0xb9: {  	s30 =	sld [smem:$0x0];
	_ =	sdelay $0x2  }
0xba: {  	s31 =	sshll.u32 s1, $0xD;
	s1 =	sshrl.u32 s1, $0x2  }
0xbb: {  	s3 =	sand.u32 $0x4000, s31;
	s1 =	sadd.s32 s1, s30  }
0xbc: {  	s0 =	sor.u32 s3, s0;
	s1 =	sshll.u32 s1, $0x11  }
0xbd: {  	s0 =	sor.u32 s1, s0  }
0xbe: {  	s0 =	sadd.s32 $0x8F2B, s0  }
0xbf: {  	[sflag:s0] =	ssyncadd.remote.s32 $0x1  }
0xc0: {  	_ =	sfence.sel $0xFFFF  }
0xc1: {  	[dreg:$0x0] =	wrdreg $0xFFFFFFFF;
	(pc) =	sbr.abs _section_cstart, $3  }
0xc2: {  	[dreg:$0x1] =	wrdreg $0xFFFFFFFF  }
0xc3: {  	_ =	task.clear_ibuf [dreg:s8], $0x2FFFF;
	_ =	strace $0x9FFFFFFF  }
0xc4: {  	(tm) =	ssettm $0x7FFFFFFF  }
0xc5: {  	_ =	shalt  }
tec
execute0_lowered:
.L_overlay_start_1:
0x0: {  	(tag) =	ssettag $0x1  }
0x1: {  	s1 =	rddreg [dreg:$0x0]  }
0x2: {  	s3 =	rddreg [dreg:$0x1]  }
0x3: {  	s0 =	srdreg.scid;
	s6 =	rddreg [dreg:$0x2];
	s4 =	simm.s32 $0x0  }
0x4: {  	s14 =	simm.s32 $0x1;
	s15 =	simm.s32 $0x2;
	s5 =	sand.u32 $0x1, s0  }
0x5: {  	s16 =	simm.s32 $0x14400;
	s0 =	stileid.u32;
	s2 =	sshll.u32 s5, $0x4  }
0x6: {  	s17 =	simm.s32 $0x0;
	[smem:$0x7FF] =	sst s4;
	s7 =	sor.u32 s0, s2  }
0x7: {  	s10 =	sadd.s32 $0xA00, s6;
	s9 =	sshll.u32 s0, $0x7;
	s11 =	smul.u32 $0x28000, s7  }
0x8: {  	s26 =	ssub.s32 $0x2, s5;
	s8 =	sshrl.u32 s7, $0x3;
	s5 =	smul.u32 $0x500, s7  }
0x9: {  	s2 =	rddreg [dreg:$0x3];
	s28 =	sshrl.u32 s26, $0x1;
	s8 =	smul.u32 $0x2400, s8  }
0xa: {  	_ =	strace $0x80000047;
	s25 =	sand.u32 $0x380, s9;
	s13 =	ssub.s32 s26, s28  }
0xb: {  	s6 =	sadd.s32 s1, s11;
	s7 =	sor.u32 $0x50, s5;
	s12 =	sor.u32 s25, s8  }
0xc: {  	s11 =	simm.s32 $0x3;
	s29 =	sadd.s32 $0x2000, s12;
	s31 =	sshrl.u32 s12, $0x3  }
0xd: {  	s12 =	simm.s32 $0x400;
	s30 =	sshrl.u32 s29, $0x3;
	s9 =	sadd.s32 s10, s31  }
0xe: {  	vm0 =	vcmask $0x300;
	vm1 =	vcmask $0x704;
	s8 =	sadd.s32 s10, s30;
	s10 =	smax.u32 s13, $0x1;
	s13 =	simm.s32 $0xA400  }
.LBB2_1:
0xf: {  	[tilespmem:s4], [sflag:$0x3] =	stream.linear.gather [hbm4b:s3+s4], $0x400, $0x38;
	[tilespmem:$0x14480] =	vst v63  }
0x10: {  	s21 =	simm.f32 $-Inf;
	_ =	swait.ge [sflag:s11], $0x400  }
0x11: {  	s20 =	simm.f32 $1.000000000e+00;
	s18 =	simm.s32 $0x0;
	[sflag:s11] =	ssyncset.done $0x0  }
0x12: {  	s19 =	simm.s32 $0x0;
	s22 =	simm.s32 $0x0;
	[sflag:s11] =	ssyncadd.s32 $0xFFFFFC00  }
0x13: {  	[tilespmem:s12], [sflag:$0x1] =	stream.linear.gather [hbm4b:s6+s4], $0xA000, $0x38;
	[tilespmem:$0x14480] =	vst v63  }
.LBB2_2:
0x14: {  	s23 =	sshllo.u32 s22, $0x1  }
0x15: {  	s24 =	smul.u32 $0x28, s23;
	_ =	sdelay $0x1  }
0x16: {  	s24 =	sadd.s32 s5, s24  }
0x17: {  	s24 =	sshll.u32 s24, $0x7  }
0x18: {  	s25 =	sadd.s32 s1, s24;
	s24 =	simm.s32 $0x0  }
0x19: {  	[tilespmem:s13], [sflag:$0x2] =	stream.linear.gather [hbm4b:s25+s24], $0xA000, $0x38;
	[tilespmem:$0x14480] =	vst v63  }
0x1a: {  	_ =	swait.ge [sflag:s14], $0xA000  }
0x1b: {  	p1 =	por $0x0, $0x0;
	[sflag:s14] =	ssyncset.done $0x0  }
0x1c: {  	s26 =	simm.s32 $0x0;
	s25 =	sshll.u32 s22, $0x1;
	[sflag:s14] =	ssyncadd.s32 $0xFFFF6000  }
.LBB2_3:
0x1d: {  	s28 =	simm.s32 $0x1  }
0x1e: {  	s29 =	sshll.u32 s24, $0x2;
	s28 =	simm.s32 @!p1 $0x0  }
0x1f: {  	s29 =	sand.u32 $0xFFFF8000, s29;
	s28 =	sshll.u32 s28, $0xB  }
0x20: {  	s28 =	sor.u32 s28, s29  }
0x21: {  	s28 =	sshrl.u32 s28, $0x2  }
0x22: {  	s29 =	sor.u32 $0x500, s28  }
0x23: {  	v8 =	vld [tilespmem:s29+$0x0]  }
0x24: {  	v6 =	vld [tilespmem:s29+$0xFFFFFF70]  }
0x25: {  	v0 =	vld [tilespmem:s29+$0xD0]  }
0x26: {  	v23 =	vld [tilespmem:s29+$0xFFFFFFC0]  }
0x27: {  	v21 =	vld [tilespmem:s29+$0xFFFFFFB0]  }
0x28: {  	v10 =	vld [tilespmem:s29+$0x40]  }
0x29: {  	s28 =	simm.s32 $0x0;
	v11 =	vld [tilespmem:s29+$0xC0]  }
0x2a: {  	v15 =	vld [tilespmem:s28+$0x40]  }
0x2b: {  	v12 =	vld [tilespmem:s29+$0xA0]  }
0x2c: {  	v13 =	vld [tilespmem:s28+$0x30]  }
0x2d: {  	v14 =	vld [tilespmem:s29+$0xB0]  }
0x2e: {  	v27 =	vld [tilespmem:s29+$0x80]  }
0x2f: {  	v16 =	vld [tilespmem:s29+$0x30]  }
0x30: {  	v18 =	vld [tilespmem:s29+$0x20]  }
0x31: {  	v22 =	vld [tilespmem:s29+$0x10]  }
0x32: {  	v25 =	vld [tilespmem:s29+$0x90];
	v17 =	vmul.f32 v8, v8  }
0x33: {  	v29 =	vld [tilespmem:s29+$0xFFFFFF00];
	v4 =	vmul.f32 v6, v6;
	v3 =	vmul.f32 v0, v0  }
0x34: {  	v28 =	vld [tilespmem:s29+$0xFFFFFFA0];
	v20 =	vmul.f32 v11, v11;
	v24 =	vmul.f32 v12, v12  }
0x35: {  	v33 =	vld [tilespmem:s28+$0x20];
	v5 =	vmul.f32 v14, v13;
	v26 =	vmul.f32 v27, v27  }
0x36: {  	v36 =	vld [tilespmem:s28+$0x10];
	v7 =	vmul.f32 v21, v13;
	v9 =	vmul.f32 v10, v15  }
0x37: {  	v38 =	vld [tilespmem:s28+$0x0];
	v30 =	vmul.f32 v16, v16;
	v31 =	vmul.f32 v10, v10  }
0x38: {  	v39 =	vld [tilespmem:s29+$0xFFFFFF80];
	v32 =	vmul.f32 v18, v18;
	v34 =	vmul.f32 v14, v14  }
0x39: {  	v46 =	vld [tilespmem:s29+$0xFFFFFF10];
	v14 =	vmul.f32 v22, v22;
	v37 =	vmul.f32 v25, v25  }
0x3a: {  	v48 =	vld [tilespmem:s29+$0xFFFFFF20];
	v10 =	vmul.f32 v23, v15;
	v43 =	vmul.f32 v16, v13  }
0x3b: {  	v19 =	vld [tilespmem:s29+$0xFFFFFF30];
	v47 =	vmul.f32 v28, v28;
	v42 =	vmul.f32 v18, v33  }
0x3c: {  	v2 =	vld [tilespmem:s29+$0xFFFFFF60];
	v45 =	vmul.f32 v22, v36;
	v16 =	vmul.f32 v28, v33  }
0x3d: {  	v35 =	vimm.f32 $0.0e+00;
	v58 =	vmul.f32 v29, v38;
	v8 =	vmul.f32 v8, v38  }
0x3e: {  	v11 =	vmul.f32 v11, v15;
	v59 =	vmul.f32 v39, v38;
	v17 =	vadd.f32 v17, v35  }
0x3f: {  	v61 =	vmul.f32 v46, v46;
	v62 =	vmul.f32 v48, v48;
	v26 =	vadd.f32 v26, v35  }
0x40: {  	v1 =	vld [tilespmem:s29+$0xFFFFFF40];
	v38 =	vmul.f32 v27, v38;
	v49 =	vadd.f32 v8, v35;
	v40 =	vadd.f32 v14, v17  }
0x41: {  	v41 =	vld [tilespmem:s29+$0xFFFFFF90];
	v14 =	vmul.f32 v2, v2;
	v26 =	vadd.f32 v37, v26;
	v17 =	vmul.f32 v19, v13  }
0x42: {  	v44 =	vld [tilespmem:s29+$0x50];
	v13 =	vmul.f32 v12, v33;
	v37 =	vmul.f32 v48, v33;
	v45 =	vadd.f32 v45, v49  }
0x43: {  	v27 =	vld [tilespmem:s29+$0x70];
	v19 =	vmul.f32 v19, v19;
	v18 =	vadd.f32 v32, v40;
	v22 =	vadd.f32 v24, v26  }
0x44: {  	v8 =	vld [tilespmem:s28+$0x60];
	v26 =	vmul.f32 v25, v36;
	v25 =	vmul.f32 v29, v29;
	v40 =	vadd.f32 v58, v35  }
0x45: {  	v12 =	vld [tilespmem:s28+$0x50];
	v63 =	vadd.f32 v42, v45;
	v24 =	vadd.f32 v30, v18;
	v30 =	vmul.f32 v39, v39  }
0x46: {  	v33 =	vld [tilespmem:s29+$0x60];
	v32 =	vmul.f32 v41, v36;
	v42 =	vadd.f32 v38, v35;
	v22 =	vadd.f32 v34, v22  }
0x47: {  	v45 =	vmul.f32 v21, v21;
	v60 =	vadd.f32 v25, v35;
	v29 =	vadd.f32 v30, v35;
	v30 =	vld [tilespmem:s29+$0xFFFFFFD0]  }
0x48: {  	v28 =	vadd.f32 v31, v24;
	v24 =	vadd.f32 v20, v22;
	v20 =	vmul.f32 v41, v41;
	v31 =	vld [tilespmem:s29+$0xF0]  }
0x49: {  	v18 =	vmul.f32 v1, v15;
	v38 =	vadd.f32 v43, v63;
	v43 =	vld [tilespmem:s29+$0xFFFFFF50];
	v39 =	vadd.f32 v61, v60  }
0x4a: {  	v15 =	vmul.f32 v44, v12;
	v41 =	vmul.f32 v46, v36;
	v29 =	vadd.f32 v20, v29;
	v20 =	vld [tilespmem:s28+$0x70]  }
0x4b: {  	s30 =	simm.s32 @!p1 $0x0;
	v22 =	vld [tilespmem:s29+$0xFFFFFFE0];
	v46 =	vadd.f32 v62, v39;
	v39 =	vmul.f32 v44, v44;
	v44 =	vmul.f32 v23, v23  }
0x4c: {  	s30 =	simm.s32 @p1 $0x1;
	v34 =	vadd.f32 v59, v35;
	v35 =	vld [tilespmem:s29+$0xFFFFFFF0];
	v23 =	vmul.f32 v33, v33;
	v25 =	vmul.f32 v30, v12  }
0x4d: {  	[smem:$0x7FD] =	sst s30;
	s28 =	simm.s32 $0x200;
	v47 =	vadd.f32 v47, v29;
	v36 =	vmul.f32 v30, v30;
	v30 =	vld [tilespmem:s29+$0xE0];
	v21 =	vmul.f32 v31, v31;
	s29 =	sadd.s32 $0x400, s29  }
.LBB2_4:
0x4e: {  	s30 =	sshra.s32 s28, $0x2;
	v29 =	vld [tilespmem:s29+$0x0];
	p1 =	sne.s32 s28, $0xE00;
	s28 =	sadd.s32 $0x200, s28;
	v40 =	vadd.f32 v41, v40;
	v28 =	vadd.f32 v39, v28;
	v39 =	vmul.f32 v0, v12  }
0x4f: {  	v41 =	vmul.f32 v1, v1;
	v31 =	vmul.f32 v31, v20;
	v0 =	vadd.f32 v45, v47;
	v1 =	vld [tilespmem:s29+$0xFFFFFF40]  }
0x50: {  	v26 =	vadd.f32 v26, v42;
	v42 =	vadd.f32 v19, v46;
	v46 =	vmul.f32 v22, v22;
	v45 =	vld [tilespmem:s29+$0xFFFFFF70]  }
0x51: {  	v3 =	vadd.f32 v3, v24;
	v24 =	vmul.f32 v6, v20;
	v19 =	vld [tilespmem:s29+$0xFFFFFF30];
	v47 =	vmul.f32 v43, v43  }
0x52: {  	v50 =	vadd.f32 v41, v42;
	v41 =	vadd.f32 v44, v0;
	v48 =	vld [tilespmem:s29+$0xFFFFFF60];
	v42 =	vmul.f32 v35, v35  }
0x53: {  	v49 =	vmul.f32 v27, v20;
	v28 =	vadd.f32 v23, v28;
	v44 =	vmul.f32 v29, v29;
	v0 =	vld [tilespmem:s29+$0xD0]  }
0x54: {  	v13 =	vadd.f32 v13, v26;
	v26 =	vadd.f32 v47, v50;
	v47 =	vmul.f32 v27, v27;
	v23 =	vld [tilespmem:s29+$0xFFFFFFC0]  }
0x55: {  	v37 =	vadd.f32 v37, v40;
	v40 =	vmul.f32 v30, v8;
	v36 =	vadd.f32 v36, v41;
	v27 =	vld [tilespmem:s29+$0xFFFFFFB0];
	v6 =	vmovc v45  }
0x56: {  	v9 =	vadd.f32 v9, v38;
	v14 =	vadd.f32 v14, v26;
	v26 =	vmul.f32 v33, v8;
	v41 =	vld [tilespmem:s29+$0x40]  }
0x57: {  	v32 =	vadd.f32 v32, v34;
	v12 =	vmul.f32 v43, v12;
	v28 =	vadd.f32 v47, v28;
	v33 =	vld [tilespmem:s29+$0xC0]  }
0x58: {  	v30 =	vmul.f32 v30, v30;
	v17 =	vadd.f32 v17, v37;
	v38 =	vadd.f32 v4, v14;
	v34 =	vld [tilespmem:s30+$0x40]  }
0x59: {  	v5 =	vadd.f32 v5, v13;
	v13 =	vmul.f32 v2, v8;
	v14 =	vadd.f32 v16, v32;
	v2 =	vmovc v48;
	v37 =	vld [tilespmem:s29+$0xA0]  }
0x5a: {  	v30 =	vadd.f32 v30, v3;
	v4 =	vmul.f32 v45, v6;
	v32 =	vadd.f32 v46, v36;
	v16 =	vld [tilespmem:s30+$0x30]  }
0x5b: {  	v3 =	vmul.f32 v0, v0;
	v7 =	vadd.f32 v7, v14;
	v14 =	vadd.f32 v18, v17;
	v36 =	vld [tilespmem:s29+$0xB0]  }
0x5c: {  	v5 =	vadd.f32 v11, v5;
	v32 =	vadd.f32 v42, v32;
	v43 =	vld [tilespmem:s29+$0x80];
	v45 =	vmul.f32 v33, v33  }
0x5d: {  	v11 =	vadd.f32 v44, v28;
	v7 =	vadd.f32 v10, v7;
	v10 =	vmul.f32 v35, v20;
	v18 =	vld [tilespmem:s29+$0x20]  }
0x5e: {  	v9 =	vadd.f32 v15, v9;
	v15 =	vadd.f32 v21, v30;
	v20 =	vmul.f32 v37, v37;
	v17 =	vld [tilespmem:s29+$0x30]  }
0x5f: {  	v8 =	vmul.f32 v22, v8;
	v7 =	vadd.f32 v25, v7;
	v25 =	vadd.f32 v39, v5;
	v21 =	vld [tilespmem:s29+$0x10]  }
0x60: {  	v12 =	vadd.f32 v12, v14;
	v14 =	vadd.f32 v26, v9;
	v22 =	vld [tilespmem:s29+$0xFFFFFF00];
	v5 =	vmul.f32 v36, v16  }
0x61: {  	v8 =	vadd.f32 v8, v7;
	v25 =	vadd.f32 v40, v25;
	v26 =	vmul.f32 v43, v43;
	v28 =	vld [tilespmem:s29+$0x90]  }
0x62: {  	v9 =	vmul.f32 v41, v34;
	v12 =	vadd.f32 v13, v12;
	v7 =	vmul.f32 v27, v16;
	v30 =	vld [tilespmem:s29+$0xFFFFFFA0]  }
0x63: {  	v40 =	vmul.f32 v41, v41;
	v42 =	vadd.f32 v10, v8;
	v35 =	vld [tilespmem:s29+$0xFFFFFF80];
	v39 =	vmul.f32 v17, v17  }
0x64: {  	v41 =	vadd.f32 v24, v12;
	v36 =	vmul.f32 v36, v36;
	v13 =	vmul.f32 v18, v18;
	v44 =	vld [tilespmem:s30+$0x20]  }
0x65: {  	v24 =	vadd.f32 v49, v14;
	v47 =	vadd.f32 v31, v25;
	v8 =	vmul.f32 v21, v21;
	v46 =	vld [tilespmem:s30+$0x10]  }
0x66: {  	v10 =	vmul.f32 v23, v34;
	v12 =	vadd.f32 v26, v15;
	v49 =	vld [tilespmem:s30+$0x0];
	v15 =	vmul.f32 v28, v28  }
0x67: {  	v14 =	vmul.f32 v48, v2;
	v50 =	vmul.f32 v17, v16;
	v11 =	vadd.f32 v8, v11;
	v8 =	vld [tilespmem:s30+$0x60]  }
0x68: {  	v17 =	vmul.f32 v19, v16;
	v48 =	vmul.f32 v30, v30;
	v25 =	vld [tilespmem:s29+$0xFFFFFF90];
	v12 =	vadd.f32 v15, v12  }
0x69: {  	v11 =	vadd.f32 v13, v11;
	v51 =	vmul.f32 v18, v44;
	v13 =	vmul.f32 v37, v44;
	v52 =	vld [tilespmem:s29+$0x50]  }
0x6a: {  	v16 =	vmul.f32 v30, v44;
	v21 =	vmul.f32 v21, v46;
	v15 =	vadd.f32 v20, v12;
	v12 =	vld [tilespmem:s30+$0x50]  }
0x6b: {  	v18 =	vmul.f32 v1, v34;
	v11 =	vadd.f32 v39, v11;
	v20 =	vmul.f32 v22, v49;
	v30 =	vld [tilespmem:s29+$0xFFFFFF10]  }
0x6c: {  	v31 =	vmul.f32 v35, v35;
	v29 =	vmul.f32 v29, v49;
	v39 =	vld [tilespmem:s29+$0xFFFFFF20];
	v15 =	vadd.f32 v36, v15  }
0x6d: {  	v26 =	vmul.f32 v28, v46;
	v28 =	vadd.f32 v40, v11;
	v11 =	vmul.f32 v33, v34  }
0x6e: {  	v22 =	vmul.f32 v22, v22;
	v33 =	vadd.f32 v31, v32;
	v29 =	vadd.f32 v29, v24;
	v36 =	vld [tilespmem:s29+$0xFFFFFFD0]  }
0x6f: {  	v34 =	vmul.f32 v35, v49;
	v24 =	vadd.f32 v45, v15;
	v15 =	vmul.f32 v52, v12  }
0x70: {  	v32 =	vmul.f32 v25, v46;
	v25 =	vmul.f32 v25, v25  }
0x71: {  	v40 =	vadd.f32 v20, v41;
	v41 =	vmul.f32 v30, v46;
	v37 =	vmul.f32 v39, v44;
	v31 =	vld [tilespmem:s29+$0xF0]  }
0x72: {  	v20 =	vadd.f32 v22, v38;
	v34 =	vadd.f32 v34, v42;
	v30 =	vmul.f32 v30, v30;
	v22 =	vld [tilespmem:s29+$0xFFFFFFE0]  }
0x73: {  	v35 =	vadd.f32 v25, v33;
	v21 =	vadd.f32 v21, v29;
	v25 =	vmul.f32 v36, v12;
	v33 =	vld [tilespmem:s29+$0x60]  }
.Ltmp0:
0x74: {  	v29 =	vadd.f32 v30, v20;
	v30 =	vmul.f32 v39, v39;
	v36 =	vmul.f32 v36, v36;
	v20 =	vld [tilespmem:s30+$0x70];
	(pc) =	sbr.rel @p1 .LBB2_4-.Ltmp0, $4  }
0x75: {  	v38 =	vmul.f32 v43, v49;
	v45 =	vmul.f32 v27, v27;
	v43 =	vadd.f32 v51, v21;
	v27 =	vld [tilespmem:s29+$0x70]  }
0x76: {  	v39 =	vmul.f32 v52, v52;
	v46 =	vadd.f32 v30, v29;
	v30 =	vld [tilespmem:s29+$0xE0];
	v21 =	vmul.f32 v31, v31  }
0x77: {  	v42 =	vadd.f32 v38, v47;
	v44 =	vmul.f32 v23, v23;
	v38 =	vadd.f32 v50, v43;
	v43 =	vld [tilespmem:s29+$0xFFFFFF50]  }
0x78: {  	v19 =	vmul.f32 v19, v19;
	v47 =	vadd.f32 v48, v35;
	v23 =	vmul.f32 v33, v33;
	v35 =	vld [tilespmem:s29+$0xFFFFFFF0];
	s29 =	sadd.s32 $0x400, s29  }
0x79: {  	v29 =	vadd.f32 v41, v40;
	_ =	sdelay $0x1  }
0x7a: {  	v29 =	vadd.f32 v37, v29;
	_ =	sdelay $0x1  }
0x7b: {  	v17 =	vadd.f32 v17, v29  }
0x7c: {  	v1 =	vmul.f32 v1, v1;
	v61 =	vadd.f32 v19, v46  }
0x7d: {  	v60 =	vmul.f32 v43, v12;
	v17 =	vadd.f32 v18, v17  }
0x7e: {  	v62 =	vmul.f32 v43, v43;
	v1 =	vadd.f32 v1, v61  }
0x7f: {  	v2 =	vmul.f32 v2, v8;
	v63 =	vadd.f32 v32, v34;
	v17 =	vadd.f32 v60, v17  }
0x80: {  	v1 =	vadd.f32 v62, v1  }
0x81: {  	v6 =	vmul.f32 v6, v20;
	v16 =	vadd.f32 v16, v63;
	v2 =	vadd.f32 v2, v17  }
0x82: {  	v1 =	vadd.f32 v14, v1  }
0x83: {  	v19 =	vadd.f32 v7, v16;
	v2 =	vadd.f32 v6, v2  }
0x84: {  	v1 =	vadd.f32 v4, v1  }
0x85: {  	v29 =	vadd.f32 v10, v19;
	(xrf2) =	vadd.scan.msk.f32 $0xffff, v2  }
0x86: {  	v32 =	vadd.f32 v45, v47;
	(xrf2) =	vadd.scan.msk.f32 $0xffff, v1  }
0x87: {  	v34 =	vmul.f32 v22, v8;
	v2 =	vadd.f32 v25, v29  }
0x88: {  	v37 =	vadd.f32 v44, v32  }
0x89: {  	v40 =	vmul.f32 v35, v20;
	v2 =	vadd.f32 v34, v2  }
0x8a: {  	v41 =	vmul.f32 v22, v22;
	v1 =	vadd.f32 v36, v37  }
0x8b: {  	v2 =	vadd.f32 v40, v2  }
0x8c: {  	v43 =	vmul.f32 v35, v35;
	v1 =	vadd.f32 v41, v1  }
0x8d: {  	(xrf2) =	vadd.scan.msk.f32 $0xffff, v2  }
0x8e: {  	v44 =	vadd.f32 v9, v38;
	v1 =	vadd.f32 v43, v1  }
0x8f: {  	v45, _, _ =	vpop (xrf2)  }
0x90: {  	v46 =	vmul.f32 v33, v8;
	v2 =	vadd.f32 v15, v44;
	(xrf2) =	vadd.scan.msk.f32 $0xffff, v1;
	(v2sf) =	vpush v45, $0xF;
	v48, _, _ =	vpop (xrf2)  }
0x91: {  	v47 =	vadd.f32 v26, v42;
	(v2sf) =	vpush v48, $0xF  }
0x92: {  	v49 =	vmul.f32 v27, v20;
	v2 =	vadd.f32 v46, v2  }
0x93: {  	v50 =	vadd.f32 v39, v28;
	v1 =	vadd.f32 v13, v47  }
0x94: {  	v2 =	vadd.f32 v49, v2  }
0x95: {  	v51 =	vmul.f32 v27, v27;
	v4 =	vadd.f32 v23, v50;
	v1 =	vadd.f32 v5, v1  }
0x96: {  	(xrf2) =	vadd.scan.msk.f32 $0xffff, v2  }
0x97: {  	v0 =	vmul.f32 v0, v12;
	v52 =	vadd.f32 v51, v4;
	v1 =	vadd.f32 v11, v1;
	v53, _, _ =	vpop (xrf2)  }
0x98: {  	(v2sf) =	vpush v53, $0xF  }
0x99: {  	v54 =	vmul.f32 v30, v8;
	v0 =	vadd.f32 v0, v1;
	(xrf2) =	vadd.scan.msk.f32 $0xffff, v52  }
0x9a: {  	v55, _, _ =	vpop (xrf2)  }
0x9b: {  	v56 =	vmul.f32 v31, v20;
	v0 =	vadd.f32 v54, v0;
	(v2sf) =	vpush v55, $0xF  }
0x9c: {  	v57 =	vadd.f32 v3, v24;
	v58 =	vmul.f32 v30, v30  }
0x9d: {  	v0 =	vadd.f32 v56, v0  }
0x9e: {  	v1 =	vadd.f32 v58, v57  }
0x9f: {  	s30 =	smul.f32 s21, s21;
	(xrf2) =	vadd.scan.msk.f32 $0xffff, v0;
	s28 =	spop (v2sf)  }
0xa0: {  	v59 =	vadd.f32 v21, v1;
	v60, _, _ =	vpop (xrf2);
	s29 =	smul.f32 s28, s28;
	s31 =	spop (v2sf)  }
0xa1: {  	(v2sf) =	vpush v60, $0xF;
	s30 =	smul.f32 s31, s30  }
0xa2: {  	(xrf2) =	vadd.scan.msk.f32 $0xffff, v59;
	s29 =	smul.f32 s29, s20  }
0xa3: {  	p2 =	sge.f32 s21, $0.0e+00;
	v61, _, _ =	vpop (xrf2);
	p1 =	sge.f32 s28, $0.0e+00  }
0xa4: {  	(v2sf) =	vpush v61, $0xF;
	p3 =	sgt.f32 s29, s30;
	p4 =	slt.f32 s29, s30  }
0xa5: {  	p5 =	por !p1, !p1  }
0xa6: {  	p5 =	por @!p2 p1, p1;
	p3 =	por @!p1 p4, p4  }
0xa7: {  	s29 =	spop (v2sf);
	p1 =	por @!p5 p3, p3  }
0xa8: {  	s21 =	smov.u32 @p1 s28;
	s28 =	smul.f32 s29, s29  }
0xa9: {  	v62, _, _ =	vpop (xrf2);
	s20 =	smov.u32 @p1 s31;
	s30 =	smul.f32 s21, s21  }
0xaa: {  	(v2sf) =	vpush v62, $0xF;
	s31 =	spop (v2sf);
	s28 =	smul.f32 s20, s28  }
0xab: {  	s30 =	smul.f32 s30, s31  }
0xac: {  	p2 =	sge.f32 s29, $0.0e+00;
	v63, _, _ =	vpop (xrf2);
	p3 =	sge.f32 s21, $0.0e+00  }
0xad: {  	(v2sf) =	vpush v63, $0xF;
	p4 =	sgt.f32 s28, s30;
	p5 =	slt.f32 s28, s30  }
0xae: {  	p6 =	por !p3, !p3  }
0xaf: {  	p6 =	por @!p2 p3, p3;
	p4 =	por @!p2 p5, p5  }
0xb0: {  	s28 =	spop (v2sf);
	p2 =	por @!p6 p4, p4  }
0xb1: {  	s21 =	smov.u32 @p2 s29;
	s29 =	smul.f32 s28, s28  }
0xb2: {  	s20 =	smov.u32 @p2 s31;
	s30 =	smul.f32 s21, s21  }
0xb3: {  	s31 =	spop (v2sf);
	s29 =	smul.f32 s20, s29  }
0xb4: {  	s30 =	smul.f32 s30, s31  }
0xb5: {  	p3 =	sge.f32 s28, $0.0e+00;
	p4 =	sge.f32 s21, $0.0e+00  }
0xb6: {  	p5 =	sgt.f32 s29, s30;
	p6 =	slt.f32 s29, s30  }
0xb7: {  	p0 =	por !p4, !p4  }
0xb8: {  	p0 =	por @!p3 p4, p4;
	p5 =	por @!p3 p6, p6  }
0xb9: {  	s29 =	spop (v2sf);
	p3 =	por @!p0 p5, p5  }
0xba: {  	s21 =	smov.u32 @p3 s28;
	s28 =	smul.f32 s29, s29  }
0xbb: {  	s20 =	smov.u32 @p3 s31;
	s30 =	smul.f32 s21, s21  }
0xbc: {  	s31 =	spop (v2sf);
	s28 =	smul.f32 s20, s28  }
0xbd: {  	s30 =	smul.f32 s30, s31;
	_ =	sdelay $0x1  }
0xbe: {  	p0 =	slt.f32 s28, s30;
	_ =	sdelay $0x1  }
0xbf: {  	p5 =	sgt.f32 s28, s30;
	s28 =	simm.s32 @!p0 $0x0  }
0xc0: {  	s28 =	simm.s32 @p0 $0x1  }
0xc1: {  	[smem:$0x7FC] =	sst s28  }
0xc2: {  	p6 =	sge.f32 s21, $0.0e+00;
	s28 =	sld [smem:$0x7FC]  }
0xc3: {  	p4 =	sge.f32 s29, $0.0e+00  }
0xc4: {  	p0 =	por !p6, !p6  }
0xc5: {  	p0 =	por @!p4 p6, p6;
	p6 =	seq.s32 s28, $0x1;
	s28 =	sshll.u32 s26, $0x2  }
0xc6: {  	s18 =	smov.u32 @p1 s28;
	s30 =	sor.u32 $0x1, s28  }
0xc7: {  	p5 =	por @!p4 p6, p6;
	s28 =	sor.u32 $0x2, s28;
	s18 =	smov.u32 @p2 s30  }
0xc8: {  	s18 =	smov.u32 @p3 s28;
	s28 =	sshllo.u32 s26, $0x2;
	s26 =	sadd.s32 $0x1, s26  }
0xc9: {  	p4 =	por @!p0 p5, p5;
	p0 =	sne.s32 s26, $0xA  }
.Ltmp1:
0xca: {  	s20 =	smov.u32 @p4 s31;
	s31 =	sld [smem:$0x7FD];
	(pc) =	sbr.rel @p0 .LBB2_3-.Ltmp1, $4  }
0xcb: {  	s19 =	smov.u32 @p1 s25  }
0xcc: {  	s24 =	sadd.s32 $0x1000, s24;
	s19 =	smov.u32 @p2 s25  }
0xcd: {  	s19 =	smov.u32 @p3 s25;
	s21 =	smov.u32 @p4 s29;
	p6 =	seq.s32 s31, $0x1  }
0xce: {  	s19 =	smov.u32 @p4 s25;
	s18 =	smov.u32 @p4 s28;
	p1 =	por !p6, !p6  }
0xcf: {  	p0 =	seq.s32 s22, $0xF  }
0xd0: {  	s24 =	smul.u32 @!p0 $0x50, s22;
	_ =	sdelay $0x1  }
0xd1: {  	s24 =	sadd.s32 @!p0 s24, s7  }
0xd2: {  	s24 =	sshll.u32 @!p0 s24, $0x7  }
0xd3: {  	s25 =	simm.s32 @!p0 $0x0;
	s26 =	simm.s32 @!p0 $0x400;
	s24 =	sadd.s32 @!p0 s1, s24  }
0xd4: {  	[tilespmem:s26], [sflag:$0x1] =	stream.linear.gather @!p0 [hbm4b:s24+s25], $0xA000, $0x38;
	[tilespmem:$0x14480] =	vst v63  }
0xd5: {  	_ =	swait.ge [sflag:s15], $0xA000  }
0xd6: {  	p1 =	por $0x0, $0x0;
	[sflag:s15] =	ssyncset.done $0x0  }
0xd7: {  	s24 =	simm.s32 $0x0;
	s25 =	simm.s32 $0x0;
	[sflag:s15] =	ssyncadd.s32 $0xFFFF6000  }
.LBB2_7:
0xd8: {  	s26 =	simm.s32 $0x1;
	s31 =	simm.s32 $0x0  }
0xd9: {  	s28 =	sshll.u32 s24, $0x2;
	s26 =	simm.s32 @!p1 $0x0;
	v15 =	vld [tilespmem:s31+$0x40]  }
0xda: {  	s28 =	sand.u32 $0xFFFF8000, s28;
	v13 =	vld [tilespmem:s31+$0x30];
	s26 =	sshll.u32 s26, $0xB  }
0xdb: {  	v33 =	vld [tilespmem:s31+$0x20];
	s26 =	sor.u32 s26, s28  }
0xdc: {  	v36 =	vld [tilespmem:s31+$0x10];
	s26 =	sshrl.u32 s26, $0x2  }
0xdd: {  	v38 =	vld [tilespmem:s31+$0x0];
	s28 =	sadd.s32 $0xA500, s26  }
0xde: {  	v8 =	vld [tilespmem:s28+$0x0]  }
0xdf: {  	v6 =	vld [tilespmem:s28+$0xFFFFFF70]  }
0xe0: {  	v0 =	vld [tilespmem:s28+$0xD0]  }
0xe1: {  	v21 =	vld [tilespmem:s28+$0xFFFFFFB0]  }
0xe2: {  	v10 =	vld [tilespmem:s28+$0x40]  }
0xe3: {  	v11 =	vld [tilespmem:s28+$0xC0]  }
0xe4: {  	v12 =	vld [tilespmem:s28+$0xA0]  }
0xe5: {  	v14 =	vld [tilespmem:s28+$0xB0]  }
0xe6: {  	v27 =	vld [tilespmem:s28+$0x80]  }
0xe7: {  	v16 =	vld [tilespmem:s28+$0x30]  }
0xe8: {  	v18 =	vld [tilespmem:s28+$0x20];
	v17 =	vmul.f32 v8, v8  }
0xe9: {  	v22 =	vld [tilespmem:s28+$0x10];
	v4 =	vmul.f32 v6, v6;
	v3 =	vmul.f32 v0, v0  }
0xea: {  	v25 =	vld [tilespmem:s28+$0x90];
	v20 =	vmul.f32 v11, v11;
	v24 =	vmul.f32 v12, v12  }
0xeb: {  	v23 =	vld [tilespmem:s28+$0xFFFFFFC0];
	v5 =	vmul.f32 v14, v13;
	v26 =	vmul.f32 v27, v27  }
0xec: {  	v28 =	vld [tilespmem:s28+$0xFFFFFFA0];
	v7 =	vmul.f32 v21, v13;
	v9 =	vmul.f32 v10, v15  }
0xed: {  	v29 =	vld [tilespmem:s28+$0xFFFFFF00];
	v30 =	vmul.f32 v16, v16;
	v31 =	vmul.f32 v10, v10  }
0xee: {  	v39 =	vld [tilespmem:s28+$0xFFFFFF80];
	v32 =	vmul.f32 v18, v18;
	v34 =	vmul.f32 v14, v14  }
0xef: {  	v46 =	vld [tilespmem:s28+$0xFFFFFF10];
	v14 =	vmul.f32 v22, v22;
	v37 =	vmul.f32 v25, v25  }
0xf0: {  	v48 =	vld [tilespmem:s28+$0xFFFFFF20];
	v10 =	vmul.f32 v23, v15;
	v43 =	vmul.f32 v16, v13  }
0xf1: {  	v19 =	vld [tilespmem:s28+$0xFFFFFF30];
	v47 =	vmul.f32 v28, v28;
	v42 =	vmul.f32 v18, v33  }
0xf2: {  	v2 =	vld [tilespmem:s28+$0xFFFFFF60];
	v45 =	vmul.f32 v22, v36;
	v16 =	vmul.f32 v28, v33  }
0xf3: {  	v35 =	vimm.f32 $0.0e+00;
	v58 =	vmul.f32 v29, v38;
	v8 =	vmul.f32 v8, v38  }
0xf4: {  	v11 =	vmul.f32 v11, v15;
	v59 =	vmul.f32 v39, v38;
	v17 =	vadd.f32 v17, v35  }
0xf5: {  	v61 =	vmul.f32 v46, v46;
	v62 =	vmul.f32 v48, v48;
	v26 =	vadd.f32 v26, v35  }
0xf6: {  	v1 =	vld [tilespmem:s28+$0xFFFFFF40];
	v38 =	vmul.f32 v27, v38;
	v49 =	vadd.f32 v8, v35;
	v40 =	vadd.f32 v14, v17  }
0xf7: {  	v41 =	vld [tilespmem:s28+$0xFFFFFF90];
	v14 =	vmul.f32 v2, v2;
	v26 =	vadd.f32 v37, v26;
	v17 =	vmul.f32 v19, v13  }
0xf8: {  	v44 =	vld [tilespmem:s28+$0x50];
	v13 =	vmul.f32 v12, v33;
	v37 =	vmul.f32 v48, v33;
	v45 =	vadd.f32 v45, v49  }
0xf9: {  	v27 =	vld [tilespmem:s28+$0x70];
	v19 =	vmul.f32 v19, v19;
	v18 =	vadd.f32 v32, v40;
	v22 =	vadd.f32 v24, v26  }
0xfa: {  	v8 =	vld [tilespmem:s31+$0x60];
	v26 =	vmul.f32 v25, v36;
	v25 =	vmul.f32 v29, v29;
	v40 =	vadd.f32 v58, v35  }
0xfb: {  	v12 =	vld [tilespmem:s31+$0x50];
	v63 =	vadd.f32 v42, v45;
	v24 =	vadd.f32 v30, v18;
	v30 =	vmul.f32 v39, v39  }
0xfc: {  	v33 =	vld [tilespmem:s28+$0x60];
	v32 =	vmul.f32 v41, v36;
	v42 =	vadd.f32 v38, v35;
	v22 =	vadd.f32 v34, v22  }
0xfd: {  	v45 =	vmul.f32 v21, v21;
	v60 =	vadd.f32 v25, v35;
	v29 =	vadd.f32 v30, v35;
	v30 =	vld [tilespmem:s28+$0xFFFFFFD0]  }
0xfe: {  	v28 =	vadd.f32 v31, v24;
	v24 =	vadd.f32 v20, v22;
	v20 =	vmul.f32 v41, v41;
	v31 =	vld [tilespmem:s28+$0xF0]  }
0xff: {  	v18 =	vmul.f32 v1, v15;
	v38 =	vadd.f32 v43, v63;
	v43 =	vld [tilespmem:s28+$0xFFFFFF50];
	v39 =	vadd.f32 v61, v60  }
0x100: {  	v15 =	vmul.f32 v44, v12;
	v41 =	vmul.f32 v46, v36;
	v29 =	vadd.f32 v20, v29;
	v20 =	vld [tilespmem:s31+$0x70]  }
0x101: {  	s29 =	simm.s32 @!p1 $0x0;
	v22 =	vld [tilespmem:s28+$0xFFFFFFE0];
	v46 =	vadd.f32 v62, v39;
	v39 =	vmul.f32 v44, v44;
	v44 =	vmul.f32 v23, v23  }
0x102: {  	s29 =	simm.s32 @p1 $0x1;
	v34 =	vadd.f32 v59, v35;
	v35 =	vld [tilespmem:s28+$0xFFFFFFF0];
	v23 =	vmul.f32 v33, v33;
	v25 =	vmul.f32 v30, v12  }
0x103: {  	[smem:$0x7FB] =	sst s29;
	s26 =	simm.s32 $0x200;
	v47 =	vadd.f32 v47, v29;
	v36 =	vmul.f32 v30, v30;
	v30 =	vld [tilespmem:s28+$0xE0];
	v21 =	vmul.f32 v31, v31;
	s28 =	sadd.s32 $0x400, s28  }
.LBB2_8:
0x104: {  	s29 =	sshra.s32 s26, $0x2;
	v29 =	vld [tilespmem:s28+$0x0];
	p1 =	sne.s32 s26, $0xE00;
	s26 =	sadd.s32 $0x200, s26;
	v40 =	vadd.f32 v41, v40;
	v28 =	vadd.f32 v39, v28;
	v39 =	vmul.f32 v0, v12  }
0x105: {  	v41 =	vmul.f32 v1, v1;
	v31 =	vmul.f32 v31, v20;
	v0 =	vadd.f32 v45, v47;
	v1 =	vld [tilespmem:s28+$0xFFFFFF40]  }
0x106: {  	v26 =	vadd.f32 v26, v42;
	v42 =	vadd.f32 v19, v46;
	v46 =	vmul.f32 v22, v22;
	v45 =	vld [tilespmem:s28+$0xFFFFFF70]  }
0x107: {  	v3 =	vadd.f32 v3, v24;
	v24 =	vmul.f32 v6, v20;
	v19 =	vld [tilespmem:s28+$0xFFFFFF30];
	v47 =	vmul.f32 v43, v43  }
0x108: {  	v50 =	vadd.f32 v41, v42;
	v41 =	vadd.f32 v44, v0;
	v48 =	vld [tilespmem:s28+$0xFFFFFF60];
	v42 =	vmul.f32 v35, v35  }
0x109: {  	v49 =	vmul.f32 v27, v20;
	v28 =	vadd.f32 v23, v28;
	v44 =	vmul.f32 v29, v29;
	v0 =	vld [tilespmem:s28+$0xD0]  }
0x10a: {  	v13 =	vadd.f32 v13, v26;
	v26 =	vadd.f32 v47, v50;
	v47 =	vmul.f32 v27, v27;
	v23 =	vld [tilespmem:s28+$0xFFFFFFC0]  }
0x10b: {  	v37 =	vadd.f32 v37, v40;
	v40 =	vmul.f32 v30, v8;
	v36 =	vadd.f32 v36, v41;
	v27 =	vld [tilespmem:s28+$0xFFFFFFB0];
	v6 =	vmovc v45  }
0x10c: {  	v9 =	vadd.f32 v9, v38;
	v14 =	vadd.f32 v14, v26;
	v26 =	vmul.f32 v33, v8;
	v41 =	vld [tilespmem:s28+$0x40]  }
0x10d: {  	v32 =	vadd.f32 v32, v34;
	v12 =	vmul.f32 v43, v12;
	v28 =	vadd.f32 v47, v28;
	v33 =	vld [tilespmem:s28+$0xC0]  }
0x10e: {  	v30 =	vmul.f32 v30, v30;
	v17 =	vadd.f32 v17, v37;
	v38 =	vadd.f32 v4, v14;
	v34 =	vld [tilespmem:s29+$0x40]  }
0x10f: {  	v5 =	vadd.f32 v5, v13;
	v13 =	vmul.f32 v2, v8;
	v14 =	vadd.f32 v16, v32;
	v2 =	vmovc v48;
	v37 =	vld [tilespmem:s28+$0xA0]  }
0x110: {  	v30 =	vadd.f32 v30, v3;
	v4 =	vmul.f32 v45, v6;
	v32 =	vadd.f32 v46, v36;
	v16 =	vld [tilespmem:s29+$0x30]  }
0x111: {  	v3 =	vmul.f32 v0, v0;
	v7 =	vadd.f32 v7, v14;
	v14 =	vadd.f32 v18, v17;
	v36 =	vld [tilespmem:s28+$0xB0]  }
0x112: {  	v5 =	vadd.f32 v11, v5;
	v32 =	vadd.f32 v42, v32;
	v43 =	vld [tilespmem:s28+$0x80];
	v45 =	vmul.f32 v33, v33  }
0x113: {  	v11 =	vadd.f32 v44, v28;
	v7 =	vadd.f32 v10, v7;
	v10 =	vmul.f32 v35, v20;
	v18 =	vld [tilespmem:s28+$0x20]  }
0x114: {  	v9 =	vadd.f32 v15, v9;
	v15 =	vadd.f32 v21, v30;
	v20 =	vmul.f32 v37, v37;
	v17 =	vld [tilespmem:s28+$0x30]  }
0x115: {  	v8 =	vmul.f32 v22, v8;
	v7 =	vadd.f32 v25, v7;
	v25 =	vadd.f32 v39, v5;
	v21 =	vld [tilespmem:s28+$0x10]  }
0x116: {  	v12 =	vadd.f32 v12, v14;
	v14 =	vadd.f32 v26, v9;
	v22 =	vld [tilespmem:s28+$0xFFFFFF00];
	v5 =	vmul.f32 v36, v16  }
0x117: {  	v8 =	vadd.f32 v8, v7;
	v25 =	vadd.f32 v40, v25;
	v26 =	vmul.f32 v43, v43;
	v28 =	vld [tilespmem:s28+$0x90]  }
0x118: {  	v9 =	vmul.f32 v41, v34;
	v12 =	vadd.f32 v13, v12;
	v7 =	vmul.f32 v27, v16;
	v30 =	vld [tilespmem:s28+$0xFFFFFFA0]  }
0x119: {  	v40 =	vmul.f32 v41, v41;
	v42 =	vadd.f32 v10, v8;
	v35 =	vld [tilespmem:s28+$0xFFFFFF80];
	v39 =	vmul.f32 v17, v17  }
0x11a: {  	v41 =	vadd.f32 v24, v12;
	v36 =	vmul.f32 v36, v36;
	v13 =	vmul.f32 v18, v18;
	v44 =	vld [tilespmem:s29+$0x20]  }
0x11b: {  	v24 =	vadd.f32 v49, v14;
	v47 =	vadd.f32 v31, v25;
	v8 =	vmul.f32 v21, v21;
	v46 =	vld [tilespmem:s29+$0x10]  }
0x11c: {  	v10 =	vmul.f32 v23, v34;
	v12 =	vadd.f32 v26, v15;
	v49 =	vld [tilespmem:s29+$0x0];
	v15 =	vmul.f32 v28, v28  }
0x11d: {  	v14 =	vmul.f32 v48, v2;
	v50 =	vmul.f32 v17, v16;
	v11 =	vadd.f32 v8, v11;
	v8 =	vld [tilespmem:s29+$0x60]  }
0x11e: {  	v17 =	vmul.f32 v19, v16;
	v48 =	vmul.f32 v30, v30;
	v25 =	vld [tilespmem:s28+$0xFFFFFF90];
	v12 =	vadd.f32 v15, v12  }
0x11f: {  	v11 =	vadd.f32 v13, v11;
	v51 =	vmul.f32 v18, v44;
	v13 =	vmul.f32 v37, v44;
	v52 =	vld [tilespmem:s28+$0x50]  }
0x120: {  	v16 =	vmul.f32 v30, v44;
	v21 =	vmul.f32 v21, v46;
	v15 =	vadd.f32 v20, v12;
	v12 =	vld [tilespmem:s29+$0x50]  }
0x121: {  	v18 =	vmul.f32 v1, v34;
	v11 =	vadd.f32 v39, v11;
	v20 =	vmul.f32 v22, v49;
	v30 =	vld [tilespmem:s28+$0xFFFFFF10]  }
0x122: {  	v31 =	vmul.f32 v35, v35;
	v29 =	vmul.f32 v29, v49;
	v39 =	vld [tilespmem:s28+$0xFFFFFF20];
	v15 =	vadd.f32 v36, v15  }
0x123: {  	v26 =	vmul.f32 v28, v46;
	v28 =	vadd.f32 v40, v11;
	v11 =	vmul.f32 v33, v34  }
0x124: {  	v22 =	vmul.f32 v22, v22;
	v33 =	vadd.f32 v31, v32;
	v29 =	vadd.f32 v29, v24;
	v36 =	vld [tilespmem:s28+$0xFFFFFFD0]  }
0x125: {  	v34 =	vmul.f32 v35, v49;
	v24 =	vadd.f32 v45, v15;
	v15 =	vmul.f32 v52, v12  }
0x126: {  	v32 =	vmul.f32 v25, v46;
	v25 =	vmul.f32 v25, v25  }
0x127: {  	v40 =	vadd.f32 v20, v41;
	v41 =	vmul.f32 v30, v46;
	v37 =	vmul.f32 v39, v44;
	v31 =	vld [tilespmem:s28+$0xF0]  }
0x128: {  	v20 =	vadd.f32 v22, v38;
	v34 =	vadd.f32 v34, v42;
	v30 =	vmul.f32 v30, v30;
	v22 =	vld [tilespmem:s28+$0xFFFFFFE0]  }
0x129: {  	v35 =	vadd.f32 v25, v33;
	v21 =	vadd.f32 v21, v29;
	v25 =	vmul.f32 v36, v12;
	v33 =	vld [tilespmem:s28+$0x60]  }
.Ltmp2:
0x12a: {  	v29 =	vadd.f32 v30, v20;
	v30 =	vmul.f32 v39, v39;
	v36 =	vmul.f32 v36, v36;
	v20 =	vld [tilespmem:s29+$0x70];
	(pc) =	sbr.rel @p1 .LBB2_8-.Ltmp2, $4  }
0x12b: {  	v38 =	vmul.f32 v43, v49;
	v45 =	vmul.f32 v27, v27;
	v43 =	vadd.f32 v51, v21;
	v27 =	vld [tilespmem:s28+$0x70]  }
0x12c: {  	v39 =	vmul.f32 v52, v52;
	v46 =	vadd.f32 v30, v29;
	v30 =	vld [tilespmem:s28+$0xE0];
	v21 =	vmul.f32 v31, v31  }
0x12d: {  	v42 =	vadd.f32 v38, v47;
	v44 =	vmul.f32 v23, v23;
	v38 =	vadd.f32 v50, v43;
	v43 =	vld [tilespmem:s28+$0xFFFFFF50]  }
0x12e: {  	v19 =	vmul.f32 v19, v19;
	v47 =	vadd.f32 v48, v35;
	v23 =	vmul.f32 v33, v33;
	v35 =	vld [tilespmem:s28+$0xFFFFFFF0];
	s28 =	sadd.s32 $0x400, s28  }
0x12f: {  	v29 =	vadd.f32 v41, v40;
	_ =	sdelay $0x1  }
0x130: {  	v29 =	vadd.f32 v37, v29;
	_ =	sdelay $0x1  }
0x131: {  	v17 =	vadd.f32 v17, v29  }
0x132: {  	v1 =	vmul.f32 v1, v1;
	v61 =	vadd.f32 v19, v46  }
0x133: {  	v60 =	vmul.f32 v43, v12;
	v17 =	vadd.f32 v18, v17  }
0x134: {  	v62 =	vmul.f32 v43, v43;
	v1 =	vadd.f32 v1, v61  }
0x135: {  	v2 =	vmul.f32 v2, v8;
	v63 =	vadd.f32 v32, v34;
	v17 =	vadd.f32 v60, v17  }
0x136: {  	v1 =	vadd.f32 v62, v1  }
0x137: {  	v6 =	vmul.f32 v6, v20;
	v16 =	vadd.f32 v16, v63;
	v2 =	vadd.f32 v2, v17  }
0x138: {  	v1 =	vadd.f32 v14, v1  }
0x139: {  	v19 =	vadd.f32 v7, v16;
	v2 =	vadd.f32 v6, v2  }
0x13a: {  	v1 =	vadd.f32 v4, v1  }
0x13b: {  	v29 =	vadd.f32 v10, v19;
	(xrf2) =	vadd.scan.msk.f32 $0xffff, v2  }
0x13c: {  	v32 =	vadd.f32 v45, v47;
	(xrf2) =	vadd.scan.msk.f32 $0xffff, v1  }
0x13d: {  	v34 =	vmul.f32 v22, v8;
	v2 =	vadd.f32 v25, v29  }
0x13e: {  	v37 =	vadd.f32 v44, v32  }
0x13f: {  	v40 =	vmul.f32 v35, v20;
	v2 =	vadd.f32 v34, v2  }
0x140: {  	v41 =	vmul.f32 v22, v22;
	v1 =	vadd.f32 v36, v37  }
0x141: {  	v2 =	vadd.f32 v40, v2  }
0x142: {  	v43 =	vmul.f32 v35, v35;
	v1 =	vadd.f32 v41, v1  }
0x143: {  	(xrf2) =	vadd.scan.msk.f32 $0xffff, v2  }
0x144: {  	v44 =	vadd.f32 v9, v38;
	v1 =	vadd.f32 v43, v1  }
0x145: {  	v45, _, _ =	vpop (xrf2)  }
0x146: {  	v46 =	vmul.f32 v33, v8;
	v2 =	vadd.f32 v15, v44;
	(xrf2) =	vadd.scan.msk.f32 $0xffff, v1;
	(v2sf) =	vpush v45, $0xF;
	v48, _, _ =	vpop (xrf2)  }
0x147: {  	v47 =	vadd.f32 v26, v42;
	(v2sf) =	vpush v48, $0xF  }
0x148: {  	v49 =	vmul.f32 v27, v20;
	v2 =	vadd.f32 v46, v2  }
0x149: {  	v50 =	vadd.f32 v39, v28;
	v1 =	vadd.f32 v13, v47  }
0x14a: {  	v2 =	vadd.f32 v49, v2  }
0x14b: {  	v51 =	vmul.f32 v27, v27;
	v4 =	vadd.f32 v23, v50;
	v1 =	vadd.f32 v5, v1  }
0x14c: {  	(xrf2) =	vadd.scan.msk.f32 $0xffff, v2  }
0x14d: {  	v0 =	vmul.f32 v0, v12;
	v52 =	vadd.f32 v51, v4;
	v1 =	vadd.f32 v11, v1;
	v53, _, _ =	vpop (xrf2)  }
0x14e: {  	(v2sf) =	vpush v53, $0xF  }
0x14f: {  	v54 =	vmul.f32 v30, v8;
	v0 =	vadd.f32 v0, v1;
	(xrf2) =	vadd.scan.msk.f32 $0xffff, v52  }
0x150: {  	v55, _, _ =	vpop (xrf2)  }
0x151: {  	v56 =	vmul.f32 v31, v20;
	v0 =	vadd.f32 v54, v0;
	(v2sf) =	vpush v55, $0xF  }
0x152: {  	v57 =	vadd.f32 v3, v24;
	v58 =	vmul.f32 v30, v30  }
0x153: {  	v0 =	vadd.f32 v56, v0  }
0x154: {  	v1 =	vadd.f32 v58, v57  }
0x155: {  	s29 =	smul.f32 s21, s21;
	(xrf2) =	vadd.scan.msk.f32 $0xffff, v0;
	s26 =	spop (v2sf)  }
0x156: {  	v59 =	vadd.f32 v21, v1;
	v60, _, _ =	vpop (xrf2);
	s28 =	smul.f32 s26, s26;
	s30 =	spop (v2sf)  }
0x157: {  	(v2sf) =	vpush v60, $0xF;
	s29 =	smul.f32 s30, s29  }
0x158: {  	(xrf2) =	vadd.scan.msk.f32 $0xffff, v59;
	s28 =	smul.f32 s28, s20  }
0x159: {  	p2 =	sge.f32 s21, $0.0e+00;
	v61, _, _ =	vpop (xrf2);
	p1 =	sge.f32 s26, $0.0e+00  }
0x15a: {  	(v2sf) =	vpush v61, $0xF;
	p3 =	sgt.f32 s28, s29;
	p4 =	slt.f32 s28, s29  }
0x15b: {  	p5 =	por !p1, !p1  }
0x15c: {  	p5 =	por @!p2 p1, p1;
	p3 =	por @!p1 p4, p4  }
0x15d: {  	s28 =	spop (v2sf);
	p1 =	por @!p5 p3, p3  }
0x15e: {  	s21 =	smov.u32 @p1 s26;
	s26 =	smul.f32 s28, s28  }
0x15f: {  	v62, _, _ =	vpop (xrf2);
	s20 =	smov.u32 @p1 s30;
	s31 =	smul.f32 s21, s21  }
0x160: {  	(v2sf) =	vpush v62, $0xF;
	s30 =	spop (v2sf);
	s26 =	smul.f32 s20, s26  }
0x161: {  	s29 =	smul.f32 s31, s30  }
0x162: {  	p2 =	sge.f32 s28, $0.0e+00;
	v63, _, _ =	vpop (xrf2);
	p3 =	sge.f32 s21, $0.0e+00  }
0x163: {  	(v2sf) =	vpush v63, $0xF;
	p4 =	sgt.f32 s26, s29;
	p5 =	slt.f32 s26, s29  }
0x164: {  	p6 =	por !p3, !p3  }
0x165: {  	p6 =	por @!p2 p3, p3;
	p4 =	por @!p2 p5, p5  }
0x166: {  	s26 =	spop (v2sf);
	p2 =	por @!p6 p4, p4  }
0x167: {  	s21 =	smov.u32 @p2 s28;
	s28 =	smul.f32 s26, s26  }
0x168: {  	s20 =	smov.u32 @p2 s30;
	s31 =	smul.f32 s21, s21  }
0x169: {  	s30 =	spop (v2sf);
	s28 =	smul.f32 s20, s28  }
0x16a: {  	s29 =	smul.f32 s31, s30  }
0x16b: {  	p3 =	sge.f32 s26, $0.0e+00;
	p4 =	sge.f32 s21, $0.0e+00  }
0x16c: {  	p5 =	sgt.f32 s28, s29;
	p6 =	slt.f32 s28, s29  }
0x16d: {  	p0 =	por !p4, !p4  }
0x16e: {  	p0 =	por @!p3 p4, p4;
	p5 =	por @!p3 p6, p6  }
0x16f: {  	s28 =	spop (v2sf);
	p3 =	por @!p0 p5, p5  }
0x170: {  	s21 =	smov.u32 @p3 s26;
	s26 =	smul.f32 s28, s28  }
0x171: {  	s20 =	smov.u32 @p3 s30;
	s31 =	smul.f32 s21, s21  }
0x172: {  	s30 =	spop (v2sf);
	s26 =	smul.f32 s20, s26  }
0x173: {  	s29 =	smul.f32 s31, s30;
	_ =	sdelay $0x1  }
0x174: {  	p0 =	slt.f32 s26, s29;
	_ =	sdelay $0x1  }
0x175: {  	p5 =	sgt.f32 s26, s29;
	s26 =	simm.s32 @!p0 $0x0  }
0x176: {  	s26 =	simm.s32 @p0 $0x1  }
0x177: {  	[smem:$0x7FA] =	sst s26  }
0x178: {  	p6 =	sge.f32 s21, $0.0e+00;
	s26 =	sld [smem:$0x7FA]  }
0x179: {  	p4 =	sge.f32 s28, $0.0e+00  }
0x17a: {  	p0 =	por !p6, !p6  }
0x17b: {  	p0 =	por @!p4 p6, p6;
	p6 =	seq.s32 s26, $0x1;
	s26 =	sshll.u32 s25, $0x2  }
0x17c: {  	s18 =	smov.u32 @p1 s26;
	s29 =	sor.u32 $0x1, s26  }
0x17d: {  	p5 =	por @!p4 p6, p6;
	s26 =	sor.u32 $0x2, s26;
	s18 =	smov.u32 @p2 s29  }
0x17e: {  	s18 =	smov.u32 @p3 s26;
	s26 =	sshllo.u32 s25, $0x2;
	s25 =	sadd.s32 $0x1, s25  }
0x17f: {  	s31 =	sld [smem:$0x7FB];
	p4 =	por @!p0 p5, p5;
	p0 =	sne.s32 s25, $0xA  }
.Ltmp3:
0x180: {  	_ = 	snop;
	(pc) =	sbr.rel @p0 .LBB2_7-.Ltmp3, $4  }
0x181: {  	s19 =	smov.u32 @p1 s23  }
0x182: {  	s24 =	sadd.s32 $0x1000, s24;
	s19 =	smov.u32 @p2 s23;
	p6 =	seq.s32 s31, $0x1  }
0x183: {  	s19 =	smov.u32 @p3 s23;
	p1 =	por !p6, !p6;
	s21 =	smov.u32 @p4 s28  }
0x184: {  	s20 =	smov.u32 @p4 s30;
	s19 =	smov.u32 @p4 s23;
	s18 =	smov.u32 @p4 s26  }
0x185: {  	s22 =	sadd.s32 $0x1, s22  }
0x186: {  	p0 =	sne.s32 s22, $0x10  }
.Ltmp4:
0x187: {  	_ = 	snop;
	(pc) =	sbr.rel @p0 .LBB2_2-.Ltmp4, $1  }
0x188: {  	_ =	sdelay $0x3  }
0x189: {  	v0 =	vmov s21  }
0x18a: {  	v0 =	vnsel vm0, $0x0, v0  }
0x18b: {  	v0 =	vsel vm1, s20, v0  }
0x18c: {  	s19 =	smul.u32 $0x28, s19;
	[tilespmem:$0x14400] =	vst v0  }
0x18d: {  	[hbm4b:s8+s4] =	stream.linear.scatter [tilespmem:s16], [sflag:$0x3], $0x80, $0x38;
	[tilespmem:$0x14480] =	vst v63  }
0x18e: {  	s19 =	sadd.s32 s5, s19;
	_ =	swait.ge [sflag:s11], $0x80  }
0x18f: {  	s28 =	sshll.u32 s18, $0xA;
	s19 =	sshll.u32 s19, $0x7;
	[sflag:s11] =	ssyncset.done $0x0  }
0x190: {  	s29 =	sshll.u32 s18, $0x7;
	s19 =	sadd.s32 s1, s19;
	[sflag:s11] =	ssyncadd.s32 $0xFFFFFF80  }
0x191: {  	[tilespmem:s13], [sflag:$0x3] =	stream.linear.gather [hbm4b:s19+s4], $0xA000, $0x38;
	[tilespmem:$0x14480] =	vst v63  }
0x192: {  	s18 =	sand.u32 $0x380, s29;
	s19 =	sand.u32 $0xFFFFE000, s28;
	_ =	swait.ge [sflag:s11], $0xA000  }
0x193: {  	s18 =	sor.u32 s18, s19;
	[sflag:s11] =	ssyncset.done $0x0  }
0x194: {  	s19 =	sadd.s32 $0xA400, s18;
	[sflag:s11] =	ssyncadd.s32 $0xFFFF6000  }
0x195: {  	[hbm4b:s9+s4] =	stream.linear.scatter [tilespmem:s19], [sflag:$0x3], $0x80, $0x38;
	[tilespmem:$0x14480] =	vst v63  }
0x196: {  	s31 =	sadd.s32 $0x80, s9;
	s30 =	sadd.s32 $0xA800, s18  }
0x197: {  	[hbm4b:s31+s4] =	stream.linear.scatter [tilespmem:s30], [sflag:$0x3], $0x80, $0x38;
	[tilespmem:$0x14480] =	vst v63  }
0x198: {  	s21 =	sadd.s32 $0x100, s9;
	s20 =	sadd.s32 $0xAC00, s18  }
0x199: {  	[hbm4b:s21+s4] =	stream.linear.scatter [tilespmem:s20], [sflag:$0x3], $0x80, $0x38;
	[tilespmem:$0x14480] =	vst v63  }
0x19a: {  	s23 =	sadd.s32 $0x180, s9;
	s22 =	sadd.s32 $0xB000, s18  }
0x19b: {  	[hbm4b:s23+s4] =	stream.linear.scatter [tilespmem:s22], [sflag:$0x3], $0x80, $0x38;
	[tilespmem:$0x14480] =	vst v63  }
0x19c: {  	s25 =	sadd.s32 $0x200, s9;
	s24 =	sadd.s32 $0xB400, s18  }
0x19d: {  	[hbm4b:s25+s4] =	stream.linear.scatter [tilespmem:s24], [sflag:$0x3], $0x80, $0x38;
	[tilespmem:$0x14480] =	vst v63  }
0x19e: {  	s17 =	sadd.s32 $0x1, s17;
	s28 =	sadd.s32 $0x280, s9;
	s26 =	sadd.s32 $0xB800, s18  }
0x19f: {  	[hbm4b:s28+s4] =	stream.linear.scatter [tilespmem:s26], [sflag:$0x3], $0x80, $0x38;
	[tilespmem:$0x14480] =	vst v63  }
0x1a0: {  	p0 =	sne.s32 s17, s10;
	s29 =	sadd.s32 $0xBC00, s18;
	s30 =	sadd.s32 $0x300, s9  }
0x1a1: {  	[hbm4b:s30+s4] =	stream.linear.scatter [tilespmem:s29], [sflag:$0x3], $0x80, $0x38;
	[tilespmem:$0x14480] =	vst v63  }
.Ltmp5:
0x1a2: {  	s18 =	sadd.s32 $0xC000, s18;
	s31 =	sadd.s32 $0x380, s9;
	(pc) =	sbr.rel @p0 .LBB2_1-.Ltmp5, $4  }
0x1a3: {  	[hbm4b:s31+s4] =	stream.linear.scatter [tilespmem:s18], [sflag:$0x3], $0x80, $0x38;
	[tilespmem:$0x14480] =	vst v63  }
0x1a4: {  	_ =	swait.ge [sflag:s11], $0x400  }
0x1a5: {  	[sflag:s11] =	ssyncset.done $0x0  }
0x1a6: {  	[sflag:s11] =	ssyncadd.s32 $0xFFFFFC00  }
0x1a7: {  	_ =	sfence.sel $0x180000  }
0x1a8: {  	[bflag:$0x0] =	sbarrier.arrive $0xFFFF  }
0x1a9: {  	p0 =	sne.s32 s0, $0x0;
	_ =	strace $0x90000047  }
0x1aa: {  	s0 =	sadd.s32 @!p0 $0x100000, s2;
	[bflag:$0x2] =	sbarrier.arrive $0xFFFF  }
0x1ab: {  	[sflag:s0] =	ssyncadd.tile.s32 @!p0 $0x1;
	_ =	shalt  }
.Lfunc_end2:
_tile_overlayer_lowered:
.L_overlay_start_2:
0x1ac: {  	(tag) =	ssettag $0x2  }
0x1ad: {  	s0 =	rddreg [dreg:$0x0];
	s2 =	stileid.u32  }
0x1ae: {  	s1 =	rddreg [dreg:$0x1];
	p0 =	sne.s32 s2, $0x0  }
0x1af: {  	s3 =	rddreg [dreg:$0x2];
	[bflag:$0x3] =	sbarrier.arrive $0xFFFF;
	s2 =	simm.s32 @!p0 $0x1C03  }
0x1b0: {  	[timem:s3], [sflag:s2] =	dma.local @!p0 [hbm:s0], s1  }
0x1b1: {  	s0 =	simm.s32 @!p0 $0x3  }
0x1b2: {  	_ =	swait.ge @!p0 [sflag:s0], s1  }
0x1b3: {  	s1 =	ssub.s32 @!p0 $0x0, s1;
	[sflag:s0] =	ssyncset.done @!p0 $0x0  }
0x1b4: {  	[sflag:s0] =	ssyncadd.s32 @!p0 s1  }
0x1b5: {  	[bflag:$0x3] =	sbarrier.arrive $0xFFFF  }
0x1b6: {  	_ =	shalt  }

</sc_bundles>
